<compile_context>
chip_gen: v7x
topology: tpu7x:2x2x1
jax: 0.10.2.dev20260603
libtpu: 0.0.44.dev20260713+nightly
codegen_flags: <defaults>
</compile_context>

<pallas_src>
import functools

import jax
import jax.numpy as jnp
from jax import lax
from jax.experimental import pallas as pl
from jax.experimental.pallas import tpu as pltpu
from jax.experimental.pallas import tpu_sc as plsc

_N = 10000
_E = 320000
_D = 128
_H = 128
_C = 10
_G = 128

_NC = 2
_NS = 16
_NW = _NC * _NS
_K = 128
_ECH = 79
_EP = _NW * _ECH * _K
_NP = 10240
_RPT = _NP // _NS

_RB = 1000
_NB = _N // _RB

_sc_mesh = functools.partial(plsc.VectorSubcoreMesh,
                             core_axis_name="c", subcore_axis_name="s")


@functools.partial(
    pl.kernel,
    mesh=_sc_mesh(),
    out_type=jax.ShapeDtypeStruct((_NC * _NP, _D), jnp.float32),
    scratch_types=[
        pltpu.VMEM((2, _K), jnp.int32),
        pltpu.VMEM((_K, _D), jnp.float32),
        pltpu.VMEM_SHARED((_NP, _D), jnp.float32),
        pltpu.SemaphoreType.DMA,
    ],
)
def _sc_agg(y, eidx, zin, out, idx, rows, acc, sem):
    cid = lax.axis_index("c")
    sid = lax.axis_index("s")
    wid = cid * _NS + sid
    base = sid * _RPT

    pltpu.sync_copy(zin, rows)
    for t in range(_RPT // _K):
        pltpu.sync_copy(rows, acc.at[pl.ds(base + t * _K, _K)])
    plsc.subcore_barrier()

    def _body(c, carry):
        pltpu.sync_copy(eidx.at[wid * _ECH + c], idx)
        pltpu.async_copy(y.at[idx.at[0]], rows, sem).wait()
        pltpu.sync_copy(rows, acc.at[idx.at[1]], add=True)
        return carry
    lax.fori_loop(0, _ECH, _body, 0)
    plsc.subcore_barrier()

    pltpu.sync_copy(acc.at[pl.ds(base, _RPT)],
                    out.at[pl.ds(cid * _NP + base, _RPT)])


@functools.partial(
    pl.kernel,
    mesh=_sc_mesh(),
    out_type=jax.ShapeDtypeStruct((_NC * _NP, _D), jnp.float32),
    scratch_types=[
        pltpu.VMEM((_K,), jnp.int32),
        pltpu.VMEM((_K, _D), jnp.float32),
        pltpu.VMEM_SHARED((_NP, _D), jnp.float32),
    ],
)
def _sc_deg(dstp, zin, oin, out, didx, ones, dacc):
    cid = lax.axis_index("c")
    sid = lax.axis_index("s")
    wid = cid * _NS + sid
    base = sid * _RPT

    pltpu.sync_copy(zin, ones)
    for t in range(_RPT // _K):
        pltpu.sync_copy(ones, dacc.at[pl.ds(base + t * _K, _K)])
    pltpu.sync_copy(oin, ones)
    plsc.subcore_barrier()

    def _body(c, carry):
        off = (wid * _ECH + c) * _K
        pltpu.sync_copy(dstp.at[pl.ds(off, _K)], didx)
        pltpu.sync_copy(ones, dacc.at[didx], add=True)
        return carry
    lax.fori_loop(0, _ECH, _body, 0)
    plsc.subcore_barrier()

    pltpu.sync_copy(dacc.at[pl.ds(base, _RPT)],
                    out.at[pl.ds(cid * _NP + base, _RPT)])


def _tc_layer(acc2, deg2, h, Wl, bl, Wr, relu):
    def body(acc_ref, deg_ref, h_ref, wl_ref, b_ref, wr_ref, o_ref):
        deg = deg_ref[0, :, 0:1] + deg_ref[1, :, 0:1]
        agg = (acc_ref[0] + acc_ref[1]) / jnp.maximum(deg, 1.0)
        o = (jnp.dot(agg, wl_ref[...], preferred_element_type=jnp.float32)
             + jnp.dot(h_ref[...], wr_ref[...], preferred_element_type=jnp.float32)
             + b_ref[...])
        if relu:
            o = jnp.maximum(o, 0.0)
        o_ref[...] = o

    return pl.pallas_call(
        body,
        grid=(_NB,),
        in_specs=[
            pl.BlockSpec((_NC, _RB, _D), lambda i: (0, i, 0)),
            pl.BlockSpec((_NC, _RB, _D), lambda i: (0, i, 0)),
            pl.BlockSpec((_RB, _D), lambda i: (i, 0)),
            pl.BlockSpec((_D, _H), lambda i: (0, 0)),
            pl.BlockSpec((1, _H), lambda i: (0, 0)),
            pl.BlockSpec((_D, _H), lambda i: (0, 0)),
        ],
        out_specs=pl.BlockSpec((_RB, _H), lambda i: (i, 0)),
        out_shape=jax.ShapeDtypeStruct((_N, _H), jnp.float32),
    )(acc2, deg2, h, Wl, bl.reshape(1, _H), Wr)


def _tc_pool(h3, batch3, Wlin, blin):
    def body(h_ref, b_ref, wl_ref, bl_ref, o_ref, psum, csum):
        i = pl.program_id(0)

        @pl.when(i == 0)
        def _init():
            psum[...] = jnp.zeros_like(psum)
            csum[...] = jnp.zeros_like(csum)

        ids = b_ref[0, 0, :]
        onehot = (ids[:, None]
                  == lax.broadcasted_iota(jnp.int32, (_RB, _G), 1)).astype(jnp.float32)
        psum[...] += lax.dot_general(
            onehot, h_ref[...], (((0,), (0,)), ((), ())),
            preferred_element_type=jnp.float32)
        csum[...] += lax.dot_general(
            onehot, jnp.ones((_RB, 1), jnp.float32), (((0,), (0,)), ((), ())),
            preferred_element_type=jnp.float32)

        @pl.when(i == _NB - 1)
        def _fin():
            pooled = psum[...] / jnp.maximum(csum[...], 1.0)
            o_ref[...] = (jnp.dot(pooled, wl_ref[...],
                                  preferred_element_type=jnp.float32)
                          + bl_ref[...])

    return pl.pallas_call(
        body,
        grid=(_NB,),
        in_specs=[
            pl.BlockSpec((_RB, _H), lambda i: (i, 0)),
            pl.BlockSpec((1, 1, _RB), lambda i: (i, 0, 0)),
            pl.BlockSpec((_H, _C), lambda i: (0, 0)),
            pl.BlockSpec((1, _C), lambda i: (0, 0)),
        ],
        out_specs=pl.BlockSpec((_G, _C), lambda i: (0, 0)),
        out_shape=jax.ShapeDtypeStruct((_G, _C), jnp.float32),
        scratch_shapes=[
            pltpu.VMEM((_G, _H), jnp.float32),
            pltpu.VMEM((_G, 1), jnp.float32),
        ],
    )(h3, batch3, Wlin, blin.reshape(1, _C))


def kernel(x, edge_index, batch, W1l, b1l, W1r, W2l, b2l, W2r, W3l, b3l, W3r,
           Wlin, blin):
    ei = edge_index.astype(jnp.int32)
    pad = _EP - _E
    srcp = jnp.concatenate([ei[0], jnp.zeros((pad,), jnp.int32)])
    dstp = jnp.concatenate([ei[1], jnp.full((pad,), _N, jnp.int32)])
    batch3 = batch.astype(jnp.int32).reshape(_NB, 1, _RB)

    zin = jnp.zeros((_K, _D), jnp.float32)
    oin = jnp.ones((_K, _D), jnp.float32)

    eidx = jnp.stack(
        [srcp.reshape(-1, _K), dstp.reshape(-1, _K)], axis=1)

    deg = _sc_deg(dstp, zin, oin).reshape(_NC, _NP, _D)
    agg1 = _sc_agg(x, eidx, zin).reshape(_NC, _NP, _D)
    h1 = _tc_layer(agg1, deg, x, W1l, b1l, W1r, relu=True)
    agg2 = _sc_agg(h1, eidx, zin).reshape(_NC, _NP, _D)
    h2 = _tc_layer(agg2, deg, h1, W2l, b2l, W2r, relu=True)
    agg3 = _sc_agg(h2, eidx, zin).reshape(_NC, _NP, _D)
    h3 = _tc_layer(agg3, deg, h2, W3l, b3l, W3r, relu=False)
    return _tc_pool(h3, batch3, Wlin, blin)

# --- scband reference (transcript-rebuilt; emitter-appended) ---
"""Pipeline reference for scband-sagenet-10943576670342 (READ-ONLY COPY).

The authoritative reference and input builder live on the scoring server;
editing this copy changes nothing except your own understanding.
"""

import jax, jax.numpy as jnp
import numpy as np

N = 10000
E = 320000
D = 128
H = 128
C = 10
G = 128


def setup_inputs(seed: int = 0) -> dict:
    key = jax.random.key(seed)
    ks = jax.random.split(key, 16)
    x = jax.random.normal(ks[0], (N, D), dtype=jnp.float32)
    edge_index = jax.random.randint(ks[1], (2, E), 0, N)
    batch = jnp.sort(jax.random.randint(ks[2], (N,), 0, G))
    sD = 1.0 / np.sqrt(D)
    sH = 1.0 / np.sqrt(H)
    params = {
        'W1l': jax.random.normal(ks[3], (D, H), jnp.float32) * sD,
        'b1l': jnp.zeros((H,), jnp.float32),
        'W1r': jax.random.normal(ks[4], (D, H), jnp.float32) * sD,
        'W2l': jax.random.normal(ks[5], (H, H), jnp.float32) * sH,
        'b2l': jnp.zeros((H,), jnp.float32),
        'W2r': jax.random.normal(ks[6], (H, H), jnp.float32) * sH,
        'W3l': jax.random.normal(ks[7], (H, H), jnp.float32) * sH,
        'b3l': jnp.zeros((H,), jnp.float32),
        'W3r': jax.random.normal(ks[8], (H, H), jnp.float32) * sH,
        'Wlin': jax.random.normal(ks[9], (H, C), jnp.float32) * sH,
        'blin': jnp.zeros((C,), jnp.float32),
    }
    return {'x': x, 'edge_index': edge_index, 'batch': batch, **params}


def _sage_conv(x, src, dst, Wl, bl, Wr):
    # PyG SAGEConv (mean aggregation): out = lin_l(mean_j x_j) + lin_r(x_i)
    msgs = x[src]
    agg = jax.ops.segment_sum(msgs, dst, num_segments=N)
    deg = jax.ops.segment_sum(jnp.ones((src.shape[0],), x.dtype), dst, num_segments=N)
    agg = agg / jnp.clip(deg, 1.0)[:, None]
    return agg @ Wl + bl + x @ Wr


def reference(x, edge_index, batch, W1l, b1l, W1r, W2l, b2l, W2r, W3l, b3l, W3r, Wlin, blin):
    src = edge_index[0]
    dst = edge_index[1]
    h = jax.nn.relu(_sage_conv(x, src, dst, W1l, b1l, W1r))
    h = jax.nn.relu(_sage_conv(h, src, dst, W2l, b2l, W2r))
    h = _sage_conv(h, src, dst, W3l, b3l, W3r)
    # global_mean_pool over graph ids in `batch`
    sums = jax.ops.segment_sum(h, batch, num_segments=G)
    cnts = jax.ops.segment_sum(jnp.ones((h.shape[0],), h.dtype), batch, num_segments=G)
    pooled = sums / jnp.clip(cnts, 1.0)[:, None]
    # dropout p=0.5 is identity in eval mode
    return pooled @ Wlin + blin

if __name__ == "__main__":
    import jax
    _d = setup_inputs()
    print(jax.jit(kernel)(*tuple(_d.values())))

</pallas_src>

<mosaic_0001>
#map = affine_map<(d0, d1) -> (0, 0)>
#map1 = affine_map<(d0, d1) -> (0, 0, 0)>
module attributes {stable_mosaic.version = 14 : i64} {
  func.func @_sc_agg(%arg0: i32, %arg1: i32, %arg2: memref<10000x128xf32, #tpu.memory_space<hbm>>, %arg3: memref<2528x2x128xi32, #tpu.memory_space<hbm>>, %arg4: memref<128x128xf32, #tpu.memory_space<hbm>>, %arg5: memref<20480x128xf32, #tpu.memory_space<hbm>>, %arg6: memref<2x128xi32, #tpu.memory_space<vmem>>, %arg7: memref<128x128xf32, #tpu.memory_space<vmem>>, %arg8: memref<10240x128xf32, #tpu.memory_space<vmem_shared>>, %arg9: memref<!tpu.dma_semaphore, #tpu.memory_space<semaphore_mem>>) attributes {dimension_semantics = [#tpu.dimension_semantics<core_parallel>, #tpu.dimension_semantics<subcore_parallel>], iteration_bounds = array<i64: 2, 16>, scalar_prefetch = 0 : i64, scratch_operands = 4 : i64, tpu.core_type = #tpu.core_type<sc_vector_subcore>, window_params = [{transform_indices = #map}, {transform_indices = #map1}, {transform_indices = #map}, {transform_indices = #map}]} {
    %mul3A = arith.constant 16 : i32
    %mul3A_0 = arith.muli %arg0, %mul3A : i32
    %add3A = arith.addi %mul3A_0, %arg1 : i32
    %mul3A_1 = arith.constant 640 : i32
    %mul3A_2 = arith.muli %arg1, %mul3A_1 : i32
    "tpu.region"() ({
      %run_scoped3A = tpu.sem_alloc : memref<!tpu.dma_semaphore, #tpu.memory_space<semaphore_mem>>
      tpu.enqueue_dma source(%arg4 : memref<128x128xf32, #tpu.memory_space<hbm>>) target(%arg7 : memref<128x128xf32, #tpu.memory_space<vmem>>) target_semaphore(%run_scoped3A : memref<!tpu.dma_semaphore, #tpu.memory_space<semaphore_mem>>)
      tpu.wait_dma2 semaphore(%run_scoped3A : memref<!tpu.dma_semaphore, #tpu.memory_space<semaphore_mem>>) src(%arg4 : memref<128x128xf32, #tpu.memory_space<hbm>>) dst(%arg7 : memref<128x128xf32, #tpu.memory_space<vmem>>)
      tpu.yield
    }) : () -> ()
    %add3A_3 = arith.constant 0 : i32
    %add3A_4 = arith.addi %mul3A_2, %add3A_3 : i32
    "tpu.region"() ({
      %run_scoped3A = tpu.sem_alloc : memref<!tpu.dma_semaphore, #tpu.memory_space<semaphore_mem>>
      %dma_start3A = arith.constant 0 : i32
      %dma_start3A_22 = tpu.memref_slice %arg8[%add3A_4, %dma_start3A] : memref<10240x128xf32, #tpu.memory_space<vmem_shared>> -> memref<128x128xf32, #tpu.memory_space<vmem_shared>>
      %dma_start3A_23 = arith.constant 0 : i32
      %dma_start3A_24 = tpu.memref_slice %arg8[%add3A_4, %dma_start3A_23] : memref<10240x128xf32, #tpu.memory_space<vmem_shared>> -> memref<128x128xf32, #tpu.memory_space<vmem_shared>>
      tpu.enqueue_dma source(%arg7 : memref<128x128xf32, #tpu.memory_space<vmem>>) target(%dma_start3A_24 : memref<128x128xf32, #tpu.memory_space<vmem_shared>>) target_semaphore(%run_scoped3A : memref<!tpu.dma_semaphore, #tpu.memory_space<semaphore_mem>>)
      %dma_wait3A = arith.constant 0 : i32
      %dma_wait3A_25 = tpu.memref_slice %arg8[%add3A_4, %dma_wait3A] : memref<10240x128xf32, #tpu.memory_space<vmem_shared>> -> memref<128x128xf32, #tpu.memory_space<vmem_shared>>
      %dma_wait3A_26 = arith.constant 0 : i32
      %dma_wait3A_27 = tpu.memref_slice %arg8[%add3A_4, %dma_wait3A_26] : memref<10240x128xf32, #tpu.memory_space<vmem_shared>> -> memref<128x128xf32, #tpu.memory_space<vmem_shared>>
      tpu.wait_dma2 semaphore(%run_scoped3A : memref<!tpu.dma_semaphore, #tpu.memory_space<semaphore_mem>>) src(%arg7 : memref<128x128xf32, #tpu.memory_space<vmem>>) dst(%dma_wait3A_27 : memref<128x128xf32, #tpu.memory_space<vmem_shared>>)
      tpu.yield
    }) : () -> ()
    %add3A_5 = arith.constant 128 : i32
    %add3A_6 = arith.addi %mul3A_2, %add3A_5 : i32
    "tpu.region"() ({
      %run_scoped3A = tpu.sem_alloc : memref<!tpu.dma_semaphore, #tpu.memory_space<semaphore_mem>>
      %dma_start3A = arith.constant 0 : i32
      %dma_start3A_22 = tpu.memref_slice %arg8[%add3A_6, %dma_start3A] : memref<10240x128xf32, #tpu.memory_space<vmem_shared>> -> memref<128x128xf32, #tpu.memory_space<vmem_shared>>
      %dma_start3A_23 = arith.constant 0 : i32
      %dma_start3A_24 = tpu.memref_slice %arg8[%add3A_6, %dma_start3A_23] : memref<10240x128xf32, #tpu.memory_space<vmem_shared>> -> memref<128x128xf32, #tpu.memory_space<vmem_shared>>
      tpu.enqueue_dma source(%arg7 : memref<128x128xf32, #tpu.memory_space<vmem>>) target(%dma_start3A_24 : memref<128x128xf32, #tpu.memory_space<vmem_shared>>) target_semaphore(%run_scoped3A : memref<!tpu.dma_semaphore, #tpu.memory_space<semaphore_mem>>)
      %dma_wait3A = arith.constant 0 : i32
      %dma_wait3A_25 = tpu.memref_slice %arg8[%add3A_6, %dma_wait3A] : memref<10240x128xf32, #tpu.memory_space<vmem_shared>> -> memref<128x128xf32, #tpu.memory_space<vmem_shared>>
      %dma_wait3A_26 = arith.constant 0 : i32
      %dma_wait3A_27 = tpu.memref_slice %arg8[%add3A_6, %dma_wait3A_26] : memref<10240x128xf32, #tpu.memory_space<vmem_shared>> -> memref<128x128xf32, #tpu.memory_space<vmem_shared>>
      tpu.wait_dma2 semaphore(%run_scoped3A : memref<!tpu.dma_semaphore, #tpu.memory_space<semaphore_mem>>) src(%arg7 : memref<128x128xf32, #tpu.memory_space<vmem>>) dst(%dma_wait3A_27 : memref<128x128xf32, #tpu.memory_space<vmem_shared>>)
      tpu.yield
    }) : () -> ()
    %add3A_7 = arith.constant 256 : i32
    %add3A_8 = arith.addi %mul3A_2, %add3A_7 : i32
    "tpu.region"() ({
      %run_scoped3A = tpu.sem_alloc : memref<!tpu.dma_semaphore, #tpu.memory_space<semaphore_mem>>
      %dma_start3A = arith.constant 0 : i32
      %dma_start3A_22 = tpu.memref_slice %arg8[%add3A_8, %dma_start3A] : memref<10240x128xf32, #tpu.memory_space<vmem_shared>> -> memref<128x128xf32, #tpu.memory_space<vmem_shared>>
      %dma_start3A_23 = arith.constant 0 : i32
      %dma_start3A_24 = tpu.memref_slice %arg8[%add3A_8, %dma_start3A_23] : memref<10240x128xf32, #tpu.memory_space<vmem_shared>> -> memref<128x128xf32, #tpu.memory_space<vmem_shared>>
      tpu.enqueue_dma source(%arg7 : memref<128x128xf32, #tpu.memory_space<vmem>>) target(%dma_start3A_24 : memref<128x128xf32, #tpu.memory_space<vmem_shared>>) target_semaphore(%run_scoped3A : memref<!tpu.dma_semaphore, #tpu.memory_space<semaphore_mem>>)
      %dma_wait3A = arith.constant 0 : i32
      %dma_wait3A_25 = tpu.memref_slice %arg8[%add3A_8, %dma_wait3A] : memref<10240x128xf32, #tpu.memory_space<vmem_shared>> -> memref<128x128xf32, #tpu.memory_space<vmem_shared>>
      %dma_wait3A_26 = arith.constant 0 : i32
      %dma_wait3A_27 = tpu.memref_slice %arg8[%add3A_8, %dma_wait3A_26] : memref<10240x128xf32, #tpu.memory_space<vmem_shared>> -> memref<128x128xf32, #tpu.memory_space<vmem_shared>>
      tpu.wait_dma2 semaphore(%run_scoped3A : memref<!tpu.dma_semaphore, #tpu.memory_space<semaphore_mem>>) src(%arg7 : memref<128x128xf32, #tpu.memory_space<vmem>>) dst(%dma_wait3A_27 : memref<128x128xf32, #tpu.memory_space<vmem_shared>>)
      tpu.yield
    }) : () -> ()
    %add3A_9 = arith.constant 384 : i32
    %add3A_10 = arith.addi %mul3A_2, %add3A_9 : i32
    "tpu.region"() ({
      %run_scoped3A = tpu.sem_alloc : memref<!tpu.dma_semaphore, #tpu.memory_space<semaphore_mem>>
      %dma_start3A = arith.constant 0 : i32
      %dma_start3A_22 = tpu.memref_slice %arg8[%add3A_10, %dma_start3A] : memref<10240x128xf32, #tpu.memory_space<vmem_shared>> -> memref<128x128xf32, #tpu.memory_space<vmem_shared>>
      %dma_start3A_23 = arith.constant 0 : i32
      %dma_start3A_24 = tpu.memref_slice %arg8[%add3A_10, %dma_start3A_23] : memref<10240x128xf32, #tpu.memory_space<vmem_shared>> -> memref<128x128xf32, #tpu.memory_space<vmem_shared>>
      tpu.enqueue_dma source(%arg7 : memref<128x128xf32, #tpu.memory_space<vmem>>) target(%dma_start3A_24 : memref<128x128xf32, #tpu.memory_space<vmem_shared>>) target_semaphore(%run_scoped3A : memref<!tpu.dma_semaphore, #tpu.memory_space<semaphore_mem>>)
      %dma_wait3A = arith.constant 0 : i32
      %dma_wait3A_25 = tpu.memref_slice %arg8[%add3A_10, %dma_wait3A] : memref<10240x128xf32, #tpu.memory_space<vmem_shared>> -> memref<128x128xf32, #tpu.memory_space<vmem_shared>>
      %dma_wait3A_26 = arith.constant 0 : i32
      %dma_wait3A_27 = tpu.memref_slice %arg8[%add3A_10, %dma_wait3A_26] : memref<10240x128xf32, #tpu.memory_space<vmem_shared>> -> memref<128x128xf32, #tpu.memory_space<vmem_shared>>
      tpu.wait_dma2 semaphore(%run_scoped3A : memref<!tpu.dma_semaphore, #tpu.memory_space<semaphore_mem>>) src(%arg7 : memref<128x128xf32, #tpu.memory_space<vmem>>) dst(%dma_wait3A_27 : memref<128x128xf32, #tpu.memory_space<vmem_shared>>)
      tpu.yield
    }) : () -> ()
    %add3A_11 = arith.constant 512 : i32
    %add3A_12 = arith.addi %mul3A_2, %add3A_11 : i32
    "tpu.region"() ({
      %run_scoped3A = tpu.sem_alloc : memref<!tpu.dma_semaphore, #tpu.memory_space<semaphore_mem>>
      %dma_start3A = arith.constant 0 : i32
      %dma_start3A_22 = tpu.memref_slice %arg8[%add3A_12, %dma_start3A] : memref<10240x128xf32, #tpu.memory_space<vmem_shared>> -> memref<128x128xf32, #tpu.memory_space<vmem_shared>>
      %dma_start3A_23 = arith.constant 0 : i32
      %dma_start3A_24 = tpu.memref_slice %arg8[%add3A_12, %dma_start3A_23] : memref<10240x128xf32, #tpu.memory_space<vmem_shared>> -> memref<128x128xf32, #tpu.memory_space<vmem_shared>>
      tpu.enqueue_dma source(%arg7 : memref<128x128xf32, #tpu.memory_space<vmem>>) target(%dma_start3A_24 : memref<128x128xf32, #tpu.memory_space<vmem_shared>>) target_semaphore(%run_scoped3A : memref<!tpu.dma_semaphore, #tpu.memory_space<semaphore_mem>>)
      %dma_wait3A = arith.constant 0 : i32
      %dma_wait3A_25 = tpu.memref_slice %arg8[%add3A_12, %dma_wait3A] : memref<10240x128xf32, #tpu.memory_space<vmem_shared>> -> memref<128x128xf32, #tpu.memory_space<vmem_shared>>
      %dma_wait3A_26 = arith.constant 0 : i32
      %dma_wait3A_27 = tpu.memref_slice %arg8[%add3A_12, %dma_wait3A_26] : memref<10240x128xf32, #tpu.memory_space<vmem_shared>> -> memref<128x128xf32, #tpu.memory_space<vmem_shared>>
      tpu.wait_dma2 semaphore(%run_scoped3A : memref<!tpu.dma_semaphore, #tpu.memory_space<semaphore_mem>>) src(%arg7 : memref<128x128xf32, #tpu.memory_space<vmem>>) dst(%dma_wait3A_27 : memref<128x128xf32, #tpu.memory_space<vmem_shared>>)
      tpu.yield
    }) : () -> ()
    %barrier3A = arith.constant 0 : index
    tpu.barrier barrier_id(%barrier3A)
    %scan3A = arith.constant 0 : i32
    %scan3A_13 = arith.constant 0 : i32
    %scan3A_14 = arith.constant 79 : i32
    %scan3A_15 = arith.addi %scan3A_13, %scan3A_14 : i32
    %scan3A_16 = arith.constant 1 : i32
    scf.for %scan3A_22 = %scan3A_13 to %scan3A_15 step %scan3A_16  : i32 {
      %mul3A_23 = arith.constant 79 : i32
      %mul3A_24 = arith.muli %add3A, %mul3A_23 : i32
      %add3A_25 = arith.addi %mul3A_24, %scan3A_22 : i32
      "tpu.region"() ({
        %run_scoped3A_38 = tpu.sem_alloc : memref<!tpu.dma_semaphore, #tpu.memory_space<semaphore_mem>>
        %dma_start3A_39 = arith.constant 0 : i32
        %dma_start3A_40 = arith.constant 0 : i32
        %dma_start3A_41 = tpu.memref_slice %arg3[%add3A_25, %dma_start3A_39, %dma_start3A_40] : memref<2528x2x128xi32, #tpu.memory_space<hbm>> -> memref<1x2x128xi32, #tpu.memory_space<hbm>>
        %dma_start3A_42 = tpu.memref_squeeze %dma_start3A_41 : memref<1x2x128xi32, #tpu.memory_space<hbm>> -> memref<2x128xi32, #tpu.memory_space<hbm>>
        %dma_start3A_43 = arith.constant 0 : i32
        %dma_start3A_44 = arith.constant 0 : i32
        %dma_start3A_45 = tpu.memref_slice %arg3[%add3A_25, %dma_start3A_43, %dma_start3A_44] : memref<2528x2x128xi32, #tpu.memory_space<hbm>> -> memref<1x2x128xi32, #tpu.memory_space<hbm>>
        %dma_start3A_46 = tpu.memref_squeeze %dma_start3A_45 : memref<1x2x128xi32, #tpu.memory_space<hbm>> -> memref<2x128xi32, #tpu.memory_space<hbm>>
        tpu.enqueue_dma source(%dma_start3A_46 : memref<2x128xi32, #tpu.memory_space<hbm>>) target(%arg6 : memref<2x128xi32, #tpu.memory_space<vmem>>) target_semaphore(%run_scoped3A_38 : memref<!tpu.dma_semaphore, #tpu.memory_space<semaphore_mem>>)
        %dma_wait3A_47 = arith.constant 0 : i32
        %dma_wait3A_48 = arith.constant 0 : i32
        %dma_wait3A_49 = tpu.memref_slice %arg3[%add3A_25, %dma_wait3A_47, %dma_wait3A_48] : memref<2528x2x128xi32, #tpu.memory_space<hbm>> -> memref<1x2x128xi32, #tpu.memory_space<hbm>>
        %dma_wait3A_50 = tpu.memref_squeeze %dma_wait3A_49 : memref<1x2x128xi32, #tpu.memory_space<hbm>> -> memref<2x128xi32, #tpu.memory_space<hbm>>
        %dma_wait3A_51 = arith.constant 0 : i32
        %dma_wait3A_52 = arith.constant 0 : i32
        %dma_wait3A_53 = tpu.memref_slice %arg3[%add3A_25, %dma_wait3A_51, %dma_wait3A_52] : memref<2528x2x128xi32, #tpu.memory_space<hbm>> -> memref<1x2x128xi32, #tpu.memory_space<hbm>>
        %dma_wait3A_54 = tpu.memref_squeeze %dma_wait3A_53 : memref<1x2x128xi32, #tpu.memory_space<hbm>> -> memref<2x128xi32, #tpu.memory_space<hbm>>
        tpu.wait_dma2 semaphore(%run_scoped3A_38 : memref<!tpu.dma_semaphore, #tpu.memory_space<semaphore_mem>>) src(%dma_wait3A_54 : memref<2x128xi32, #tpu.memory_space<hbm>>) dst(%arg6 : memref<2x128xi32, #tpu.memory_space<vmem>>)
        tpu.yield
      }) : () -> ()
      %dma_start3A = arith.constant 0 : i32
      %dma_start3A_26 = arith.constant 0 : i32
      %dma_start3A_27 = tpu.memref_slice %arg6[%dma_start3A, %dma_start3A_26] : memref<2x128xi32, #tpu.memory_space<vmem>> -> memref<1x128xi32, #tpu.memory_space<vmem>>
      %dma_start3A_28 = tpu.memref_squeeze %dma_start3A_27 : memref<1x128xi32, #tpu.memory_space<vmem>> -> memref<128xi32, #tpu.memory_space<vmem>>
      %dma_start3A_29 = arith.constant 0 : i32
      %dma_start3A_30 = arith.constant 0 : i32
      %dma_start3A_31 = tpu.memref_slice %arg2[%dma_start3A_29, %dma_start3A_30] : memref<10000x128xf32, #tpu.memory_space<hbm>> -> memref<10000x128xf32, #tpu.memory_space<hbm>>
      tpu.enqueue_indirect_dma source(%dma_start3A_31 : memref<10000x128xf32, #tpu.memory_space<hbm>>) target(%arg7 : memref<128x128xf32, #tpu.memory_space<vmem>>) offsets(%dma_start3A_28 : memref<128xi32, #tpu.memory_space<vmem>>) semaphore(%arg9 : memref<!tpu.dma_semaphore, #tpu.memory_space<semaphore_mem>>)
      %dma_wait3A = arith.constant 0 : i32
      %dma_wait3A_32 = arith.constant 0 : i32
      %dma_wait3A_33 = tpu.memref_slice %arg6[%dma_wait3A, %dma_wait3A_32] : memref<2x128xi32, #tpu.memory_space<vmem>> -> memref<1x128xi32, #tpu.memory_space<vmem>>
      %dma_wait3A_34 = tpu.memref_squeeze %dma_wait3A_33 : memref<1x128xi32, #tpu.memory_space<vmem>> -> memref<128xi32, #tpu.memory_space<vmem>>
      %dma_wait3A_35 = arith.constant 0 : i32
      %dma_wait3A_36 = arith.constant 0 : i32
      %dma_wait3A_37 = tpu.memref_slice %arg2[%dma_wait3A_35, %dma_wait3A_36] : memref<10000x128xf32, #tpu.memory_space<hbm>> -> memref<10000x128xf32, #tpu.memory_space<hbm>>
      tpu.wait_indirect_dma semaphore(%arg9 : memref<!tpu.dma_semaphore, #tpu.memory_space<semaphore_mem>>) src(%dma_wait3A_37 : memref<10000x128xf32, #tpu.memory_space<hbm>>) dst(%arg7 : memref<128x128xf32, #tpu.memory_space<vmem>>)
      %run_scoped3A = arith.constant 1 : i32
      "tpu.region"() ({
        %run_scoped3A_38 = tpu.sem_alloc : memref<!tpu.dma_semaphore, #tpu.memory_space<semaphore_mem>>
        %dma_start3A_39 = arith.constant 0 : i32
        %dma_start3A_40 = tpu.memref_slice %arg6[%run_scoped3A, %dma_start3A_39] : memref<2x128xi32, #tpu.memory_space<vmem>> -> memref<1x128xi32, #tpu.memory_space<vmem>>
        %dma_start3A_41 = tpu.memref_squeeze %dma_start3A_40 : memref<1x128xi32, #tpu.memory_space<vmem>> -> memref<128xi32, #tpu.memory_space<vmem>>
        %dma_start3A_42 = arith.constant 0 : i32
        %dma_start3A_43 = arith.constant 0 : i32
        %dma_start3A_44 = tpu.memref_slice %arg8[%dma_start3A_42, %dma_start3A_43] : memref<10240x128xf32, #tpu.memory_space<vmem_shared>> -> memref<10240x128xf32, #tpu.memory_space<vmem_shared>>
        tpu.enqueue_indirect_dma source(%arg7 : memref<128x128xf32, #tpu.memory_space<vmem>>) target(%dma_start3A_44 : memref<10240x128xf32, #tpu.memory_space<vmem_shared>>) offsets(%dma_start3A_41 : memref<128xi32, #tpu.memory_space<vmem>>) semaphore(%run_scoped3A_38 : memref<!tpu.dma_semaphore, #tpu.memory_space<semaphore_mem>>) {add = true}
        %dma_wait3A_45 = arith.constant 0 : i32
        %dma_wait3A_46 = tpu.memref_slice %arg6[%run_scoped3A, %dma_wait3A_45] : memref<2x128xi32, #tpu.memory_space<vmem>> -> memref<1x128xi32, #tpu.memory_space<vmem>>
        %dma_wait3A_47 = tpu.memref_squeeze %dma_wait3A_46 : memref<1x128xi32, #tpu.memory_space<vmem>> -> memref<128xi32, #tpu.memory_space<vmem>>
        %dma_wait3A_48 = arith.constant 0 : i32
        %dma_wait3A_49 = arith.constant 0 : i32
        %dma_wait3A_50 = tpu.memref_slice %arg8[%dma_wait3A_48, %dma_wait3A_49] : memref<10240x128xf32, #tpu.memory_space<vmem_shared>> -> memref<10240x128xf32, #tpu.memory_space<vmem_shared>>
        tpu.wait_indirect_dma semaphore(%run_scoped3A_38 : memref<!tpu.dma_semaphore, #tpu.memory_space<semaphore_mem>>) src(%arg7 : memref<128x128xf32, #tpu.memory_space<vmem>>) dst(%dma_wait3A_50 : memref<10240x128xf32, #tpu.memory_space<vmem_shared>>)
        tpu.yield
      }) : () -> ()
    }
    %scan3A_17 = arith.constant 79 : i32
    %barrier3A_18 = arith.constant 0 : index
    tpu.barrier barrier_id(%barrier3A_18)
    %mul3A_19 = arith.constant 10240 : i32
    %mul3A_20 = arith.muli %arg0, %mul3A_19 : i32
    %add3A_21 = arith.addi %mul3A_20, %mul3A_2 : i32
    "tpu.region"() ({
      %run_scoped3A = tpu.sem_alloc : memref<!tpu.dma_semaphore, #tpu.memory_space<semaphore_mem>>
      %dma_start3A = arith.constant 0 : i32
      %dma_start3A_22 = tpu.memref_slice %arg5[%add3A_21, %dma_start3A] : memref<20480x128xf32, #tpu.memory_space<hbm>> -> memref<640x128xf32, #tpu.memory_space<hbm>>
      %dma_start3A_23 = arith.constant 0 : i32
      %dma_start3A_24 = tpu.memref_slice %arg8[%mul3A_2, %dma_start3A_23] : memref<10240x128xf32, #tpu.memory_space<vmem_shared>> -> memref<640x128xf32, #tpu.memory_space<vmem_shared>>
      tpu.enqueue_dma source(%dma_start3A_24 : memref<640x128xf32, #tpu.memory_space<vmem_shared>>) target(%dma_start3A_22 : memref<640x128xf32, #tpu.memory_space<hbm>>) target_semaphore(%run_scoped3A : memref<!tpu.dma_semaphore, #tpu.memory_space<semaphore_mem>>)
      %dma_wait3A = arith.constant 0 : i32
      %dma_wait3A_25 = tpu.memref_slice %arg5[%add3A_21, %dma_wait3A] : memref<20480x128xf32, #tpu.memory_space<hbm>> -> memref<640x128xf32, #tpu.memory_space<hbm>>
      %dma_wait3A_26 = arith.constant 0 : i32
      %dma_wait3A_27 = tpu.memref_slice %arg8[%mul3A_2, %dma_wait3A_26] : memref<10240x128xf32, #tpu.memory_space<vmem_shared>> -> memref<640x128xf32, #tpu.memory_space<vmem_shared>>
      tpu.wait_dma2 semaphore(%run_scoped3A : memref<!tpu.dma_semaphore, #tpu.memory_space<semaphore_mem>>) src(%dma_wait3A_27 : memref<640x128xf32, #tpu.memory_space<vmem_shared>>) dst(%dma_wait3A_25 : memref<640x128xf32, #tpu.memory_space<hbm>>)
      tpu.yield
    }) : () -> ()
    return
  }
}

#map = affine_map<(d0, d1) -> (0, 0)>
#map1 = affine_map<(d0, d1) -> (0, 0, 0)>
module attributes {stable_mosaic.version = 14 : i64} {
  func.func @_sc_agg(%arg0: i32, %arg1: i32, %arg2: memref<10000x128xf32, #tpu.memory_space<hbm>>, %arg3: memref<2528x2x128xi32, #tpu.memory_space<hbm>>, %arg4: memref<128x128xf32, #tpu.memory_space<hbm>>, %arg5: memref<20480x128xf32, #tpu.memory_space<hbm>>, %arg6: memref<2x128xi32, #tpu.memory_space<vmem>>, %arg7: memref<128x128xf32, #tpu.memory_space<vmem>>, %arg8: memref<10240x128xf32, #tpu.memory_space<vmem_shared>>, %arg9: memref<!tpu.dma_semaphore, #tpu.memory_space<semaphore_mem>>) attributes {dimension_semantics = [#tpu.dimension_semantics<core_parallel>, #tpu.dimension_semantics<subcore_parallel>], iteration_bounds = array<i64: 2, 16>, scalar_prefetch = 0 : i64, scratch_operands = 4 : i64, tpu.core_type = #tpu.core_type<sc_vector_subcore>, window_params = [{transform_indices = #map}, {transform_indices = #map1}, {transform_indices = #map}, {transform_indices = #map}]} {
    %mul3A = arith.constant 16 : i32
    %mul3A_0 = arith.muli %arg0, %mul3A : i32
    %add3A = arith.addi %mul3A_0, %arg1 : i32
    %mul3A_1 = arith.constant 640 : i32
    %mul3A_2 = arith.muli %arg1, %mul3A_1 : i32
    "tpu.region"() ({
      %run_scoped3A = tpu.sem_alloc : memref<!tpu.dma_semaphore, #tpu.memory_space<semaphore_mem>>
      tpu.enqueue_dma source(%arg4 : memref<128x128xf32, #tpu.memory_space<hbm>>) target(%arg7 : memref<128x128xf32, #tpu.memory_space<vmem>>) target_semaphore(%run_scoped3A : memref<!tpu.dma_semaphore, #tpu.memory_space<semaphore_mem>>)
      tpu.wait_dma2 semaphore(%run_scoped3A : memref<!tpu.dma_semaphore, #tpu.memory_space<semaphore_mem>>) src(%arg4 : memref<128x128xf32, #tpu.memory_space<hbm>>) dst(%arg7 : memref<128x128xf32, #tpu.memory_space<vmem>>)
      tpu.yield
    }) : () -> ()
    %add3A_3 = arith.constant 0 : i32
    %add3A_4 = arith.addi %mul3A_2, %add3A_3 : i32
    "tpu.region"() ({
      %run_scoped3A = tpu.sem_alloc : memref<!tpu.dma_semaphore, #tpu.memory_space<semaphore_mem>>
      %dma_start3A = arith.constant 0 : i32
      %dma_start3A_22 = tpu.memref_slice %arg8[%add3A_4, %dma_start3A] : memref<10240x128xf32, #tpu.memory_space<vmem_shared>> -> memref<128x128xf32, #tpu.memory_space<vmem_shared>>
      %dma_start3A_23 = arith.constant 0 : i32
      %dma_start3A_24 = tpu.memref_slice %arg8[%add3A_4, %dma_start3A_23] : memref<10240x128xf32, #tpu.memory_space<vmem_shared>> -> memref<128x128xf32, #tpu.memory_space<vmem_shared>>
      tpu.enqueue_dma source(%arg7 : memref<128x128xf32, #tpu.memory_space<vmem>>) target(%dma_start3A_24 : memref<128x128xf32, #tpu.memory_space<vmem_shared>>) target_semaphore(%run_scoped3A : memref<!tpu.dma_semaphore, #tpu.memory_space<semaphore_mem>>)
      %dma_wait3A = arith.constant 0 : i32
      %dma_wait3A_25 = tpu.memref_slice %arg8[%add3A_4, %dma_wait3A] : memref<10240x128xf32, #tpu.memory_space<vmem_shared>> -> memref<128x128xf32, #tpu.memory_space<vmem_shared>>
      %dma_wait3A_26 = arith.constant 0 : i32
      %dma_wait3A_27 = tpu.memref_slice %arg8[%add3A_4, %dma_wait3A_26] : memref<10240x128xf32, #tpu.memory_space<vmem_shared>> -> memref<128x128xf32, #tpu.memory_space<vmem_shared>>
      tpu.wait_dma2 semaphore(%run_scoped3A : memref<!tpu.dma_semaphore, #tpu.memory_space<semaphore_mem>>) src(%arg7 : memref<128x128xf32, #tpu.memory_space<vmem>>) dst(%dma_wait3A_27 : memref<128x128xf32, #tpu.memory_space<vmem_shared>>)
      tpu.yield
    }) : () -> ()
    %add3A_5 = arith.constant 128 : i32
    %add3A_6 = arith.addi %mul3A_2, %add3A_5 : i32
    "tpu.region"() ({
      %run_scoped3A = tpu.sem_alloc : memref<!tpu.dma_semaphore, #tpu.memory_space<semaphore_mem>>
      %dma_start3A = arith.constant 0 : i32
      %dma_start3A_22 = tpu.memref_slice %arg8[%add3A_6, %dma_start3A] : memref<10240x128xf32, #tpu.memory_space<vmem_shared>> -> memref<128x128xf32, #tpu.memory_space<vmem_shared>>
      %dma_start3A_23 = arith.constant 0 : i32
      %dma_start3A_24 = tpu.memref_slice %arg8[%add3A_6, %dma_start3A_23] : memref<10240x128xf32, #tpu.memory_space<vmem_shared>> -> memref<128x128xf32, #tpu.memory_space<vmem_shared>>
      tpu.enqueue_dma source(%arg7 : memref<128x128xf32, #tpu.memory_space<vmem>>) target(%dma_start3A_24 : memref<128x128xf32, #tpu.memory_space<vmem_shared>>) target_semaphore(%run_scoped3A : memref<!tpu.dma_semaphore, #tpu.memory_space<semaphore_mem>>)
      %dma_wait3A = arith.constant 0 : i32
      %dma_wait3A_25 = tpu.memref_slice %arg8[%add3A_6, %dma_wait3A] : memref<10240x128xf32, #tpu.memory_space<vmem_shared>> -> memref<128x128xf32, #tpu.memory_space<vmem_shared>>
      %dma_wait3A_26 = arith.constant 0 : i32
      %dma_wait3A_27 = tpu.memref_slice %arg8[%add3A_6, %dma_wait3A_26] : memref<10240x128xf32, #tpu.memory_space<vmem_shared>> -> memref<128x128xf32, #tpu.memory_space<vmem_shared>>
      tpu.wait_dma2 semaphore(%run_scoped3A : memref<!tpu.dma_semaphore, #tpu.memory_space<semaphore_mem>>) src(%arg7 : memref<128x128xf32, #tpu.memory_space<vmem>>) dst(%dma_wait3A_27 : memref<128x128xf32, #tpu.memory_space<vmem_shared>>)
      tpu.yield
    }) : () -> ()
    %add3A_7 = arith.constant 256 : i32
    %add3A_8 = arith.addi %mul3A_2, %add3A_7 : i32
    "tpu.region"() ({
      %run_scoped3A = tpu.sem_alloc : memref<!tpu.dma_semaphore, #tpu.memory_space<semaphore_mem>>
      %dma_start3A = arith.constant 0 : i32
      %dma_start3A_22 = tpu.memref_slice %arg8[%add3A_8, %dma_start3A] : memref<10240x128xf32, #tpu.memory_space<vmem_shared>> -> memref<128x128xf32, #tpu.memory_space<vmem_shared>>
      %dma_start3A_23 = arith.constant 0 : i32
      %dma_start3A_24 = tpu.memref_slice %arg8[%add3A_8, %dma_start3A_23] : memref<10240x128xf32, #tpu.memory_space<vmem_shared>> -> memref<128x128xf32, #tpu.memory_space<vmem_shared>>
      tpu.enqueue_dma source(%arg7 : memref<128x128xf32, #tpu.memory_space<vmem>>) target(%dma_start3A_24 : memref<128x128xf32, #tpu.memory_space<vmem_shared>>) target_semaphore(%run_scoped3A : memref<!tpu.dma_semaphore, #tpu.memory_space<semaphore_mem>>)
      %dma_wait3A = arith.constant 0 : i32
      %dma_wait3A_25 = tpu.memref_slice %arg8[%add3A_8, %dma_wait3A] : memref<10240x128xf32, #tpu.memory_space<vmem_shared>> -> memref<128x128xf32, #tpu.memory_space<vmem_shared>>
      %dma_wait3A_26 = arith.constant 0 : i32
      %dma_wait3A_27 = tpu.memref_slice %arg8[%add3A_8, %dma_wait3A_26] : memref<10240x128xf32, #tpu.memory_space<vmem_shared>> -> memref<128x128xf32, #tpu.memory_space<vmem_shared>>
      tpu.wait_dma2 semaphore(%run_scoped3A : memref<!tpu.dma_semaphore, #tpu.memory_space<semaphore_mem>>) src(%arg7 : memref<128x128xf32, #tpu.memory_space<vmem>>) dst(%dma_wait3A_27 : memref<128x128xf32, #tpu.memory_space<vmem_shared>>)
      tpu.yield
    }) : () -> ()
    %add3A_9 = arith.constant 384 : i32
    %add3A_10 = arith.addi %mul3A_2, %add3A_9 : i32
    "tpu.region"() ({
      %run_scoped3A = tpu.sem_alloc : memref<!tpu.dma_semaphore, #tpu.memory_space<semaphore_mem>>
      %dma_start3A = arith.constant 0 : i32
      %dma_start3A_22 = tpu.memref_slice %arg8[%add3A_10, %dma_start3A] : memref<10240x128xf32, #tpu.memory_space<vmem_shared>> -> memref<128x128xf32, #tpu.memory_space<vmem_shared>>
      %dma_start3A_23 = arith.constant 0 : i32
      %dma_start3A_24 = tpu.memref_slice %arg8[%add3A_10, %dma_start3A_23] : memref<10240x128xf32, #tpu.memory_space<vmem_shared>> -> memref<128x128xf32, #tpu.memory_space<vmem_shared>>
      tpu.enqueue_dma source(%arg7 : memref<128x128xf32, #tpu.memory_space<vmem>>) target(%dma_start3A_24 : memref<128x128xf32, #tpu.memory_space<vmem_shared>>) target_semaphore(%run_scoped3A : memref<!tpu.dma_semaphore, #tpu.memory_space<semaphore_mem>>)
      %dma_wait3A = arith.constant 0 : i32
      %dma_wait3A_25 = tpu.memref_slice %arg8[%add3A_10, %dma_wait3A] : memref<10240x128xf32, #tpu.memory_space<vmem_shared>> -> memref<128x128xf32, #tpu.memory_space<vmem_shared>>
      %dma_wait3A_26 = arith.constant 0 : i32
      %dma_wait3A_27 = tpu.memref_slice %arg8[%add3A_10, %dma_wait3A_26] : memref<10240x128xf32, #tpu.memory_space<vmem_shared>> -> memref<128x128xf32, #tpu.memory_space<vmem_shared>>
      tpu.wait_dma2 semaphore(%run_scoped3A : memref<!tpu.dma_semaphore, #tpu.memory_space<semaphore_mem>>) src(%arg7 : memref<128x128xf32, #tpu.memory_space<vmem>>) dst(%dma_wait3A_27 : memref<128x128xf32, #tpu.memory_space<vmem_shared>>)
      tpu.yield
    }) : () -> ()
    %add3A_11 = arith.constant 512 : i32
    %add3A_12 = arith.addi %mul3A_2, %add3A_11 : i32
    "tpu.region"() ({
      %run_scoped3A = tpu.sem_alloc : memref<!tpu.dma_semaphore, #tpu.memory_space<semaphore_mem>>
      %dma_start3A = arith.constant 0 : i32
      %dma_start3A_22 = tpu.memref_slice %arg8[%add3A_12, %dma_start3A] : memref<10240x128xf32, #tpu.memory_space<vmem_shared>> -> memref<128x128xf32, #tpu.memory_space<vmem_shared>>
      %dma_start3A_23 = arith.constant 0 : i32
      %dma_start3A_24 = tpu.memref_slice %arg8[%add3A_12, %dma_start3A_23] : memref<10240x128xf32, #tpu.memory_space<vmem_shared>> -> memref<128x128xf32, #tpu.memory_space<vmem_shared>>
      tpu.enqueue_dma source(%arg7 : memref<128x128xf32, #tpu.memory_space<vmem>>) target(%dma_start3A_24 : memref<128x128xf32, #tpu.memory_space<vmem_shared>>) target_semaphore(%run_scoped3A : memref<!tpu.dma_semaphore, #tpu.memory_space<semaphore_mem>>)
      %dma_wait3A = arith.constant 0 : i32
      %dma_wait3A_25 = tpu.memref_slice %arg8[%add3A_12, %dma_wait3A] : memref<10240x128xf32, #tpu.memory_space<vmem_shared>> -> memref<128x128xf32, #tpu.memory_space<vmem_shared>>
      %dma_wait3A_26 = arith.constant 0 : i32
      %dma_wait3A_27 = tpu.memref_slice %arg8[%add3A_12, %dma_wait3A_26] : memref<10240x128xf32, #tpu.memory_space<vmem_shared>> -> memref<128x128xf32, #tpu.memory_space<vmem_shared>>
      tpu.wait_dma2 semaphore(%run_scoped3A : memref<!tpu.dma_semaphore, #tpu.memory_space<semaphore_mem>>) src(%arg7 : memref<128x128xf32, #tpu.memory_space<vmem>>) dst(%dma_wait3A_27 : memref<128x128xf32, #tpu.memory_space<vmem_shared>>)
      tpu.yield
    }) : () -> ()
    %barrier3A = arith.constant 0 : index
    tpu.barrier barrier_id(%barrier3A)
    %scan3A = arith.constant 0 : i32
    %scan3A_13 = arith.constant 0 : i32
    %scan3A_14 = arith.constant 79 : i32
    %scan3A_15 = arith.addi %scan3A_13, %scan3A_14 : i32
    %scan3A_16 = arith.constant 1 : i32
    scf.for %scan3A_22 = %scan3A_13 to %scan3A_15 step %scan3A_16  : i32 {
      %mul3A_23 = arith.constant 79 : i32
      %mul3A_24 = arith.muli %add3A, %mul3A_23 : i32
      %add3A_25 = arith.addi %mul3A_24, %scan3A_22 : i32
      "tpu.region"() ({
        %run_scoped3A_38 = tpu.sem_alloc : memref<!tpu.dma_semaphore, #tpu.memory_space<semaphore_mem>>
        %dma_start3A_39 = arith.constant 0 : i32
        %dma_start3A_40 = arith.constant 0 : i32
        %dma_start3A_41 = tpu.memref_slice %arg3[%add3A_25, %dma_start3A_39, %dma_start3A_40] : memref<2528x2x128xi32, #tpu.memory_space<hbm>> -> memref<1x2x128xi32, #tpu.memory_space<hbm>>
        %dma_start3A_42 = tpu.memref_squeeze %dma_start3A_41 : memref<1x2x128xi32, #tpu.memory_space<hbm>> -> memref<2x128xi32, #tpu.memory_space<hbm>>
        %dma_start3A_43 = arith.constant 0 : i32
        %dma_start3A_44 = arith.constant 0 : i32
        %dma_start3A_45 = tpu.memref_slice %arg3[%add3A_25, %dma_start3A_43, %dma_start3A_44] : memref<2528x2x128xi32, #tpu.memory_space<hbm>> -> memref<1x2x128xi32, #tpu.memory_space<hbm>>
        %dma_start3A_46 = tpu.memref_squeeze %dma_start3A_45 : memref<1x2x128xi32, #tpu.memory_space<hbm>> -> memref<2x128xi32, #tpu.memory_space<hbm>>
        tpu.enqueue_dma source(%dma_start3A_46 : memref<2x128xi32, #tpu.memory_space<hbm>>) target(%arg6 : memref<2x128xi32, #tpu.memory_space<vmem>>) target_semaphore(%run_scoped3A_38 : memref<!tpu.dma_semaphore, #tpu.memory_space<semaphore_mem>>)
        %dma_wait3A_47 = arith.constant 0 : i32
        %dma_wait3A_48 = arith.constant 0 : i32
        %dma_wait3A_49 = tpu.memref_slice %arg3[%add3A_25, %dma_wait3A_47, %dma_wait3A_48] : memref<2528x2x128xi32, #tpu.memory_space<hbm>> -> memref<1x2x128xi32, #tpu.memory_space<hbm>>
        %dma_wait3A_50 = tpu.memref_squeeze %dma_wait3A_49 : memref<1x2x128xi32, #tpu.memory_space<hbm>> -> memref<2x128xi32, #tpu.memory_space<hbm>>
        %dma_wait3A_51 = arith.constant 0 : i32
        %dma_wait3A_52 = arith.constant 0 : i32
        %dma_wait3A_53 = tpu.memref_slice %arg3[%add3A_25, %dma_wait3A_51, %dma_wait3A_52] : memref<2528x2x128xi32, #tpu.memory_space<hbm>> -> memref<1x2x128xi32, #tpu.memory_space<hbm>>
        %dma_wait3A_54 = tpu.memref_squeeze %dma_wait3A_53 : memref<1x2x128xi32, #tpu.memory_space<hbm>> -> memref<2x128xi32, #tpu.memory_space<hbm>>
        tpu.wait_dma2 semaphore(%run_scoped3A_38 : memref<!tpu.dma_semaphore, #tpu.memory_space<semaphore_mem>>) src(%dma_wait3A_54 : memref<2x128xi32, #tpu.memory_space<hbm>>) dst(%arg6 : memref<2x128xi32, #tpu.memory_space<vmem>>)
        tpu.yield
      }) : () -> ()
      %dma_start3A = arith.constant 0 : i32
      %dma_start3A_26 = arith.constant 0 : i32
      %dma_start3A_27 = tpu.memref_slice %arg6[%dma_start3A, %dma_start3A_26] : memref<2x128xi32, #tpu.memory_space<vmem>> -> memref<1x128xi32, #tpu.memory_space<vmem>>
      %dma_start3A_28 = tpu.memref_squeeze %dma_start3A_27 : memref<1x128xi32, #tpu.memory_space<vmem>> -> memref<128xi32, #tpu.memory_space<vmem>>
      %dma_start3A_29 = arith.constant 0 : i32
      %dma_start3A_30 = arith.constant 0 : i32
      %dma_start3A_31 = tpu.memref_slice %arg2[%dma_start3A_29, %dma_start3A_30] : memref<10000x128xf32, #tpu.memory_space<hbm>> -> memref<10000x128xf32, #tpu.memory_space<hbm>>
      tpu.enqueue_indirect_dma source(%dma_start3A_31 : memref<10000x128xf32, #tpu.memory_space<hbm>>) target(%arg7 : memref<128x128xf32, #tpu.memory_space<vmem>>) offsets(%dma_start3A_28 : memref<128xi32, #tpu.memory_space<vmem>>) semaphore(%arg9 : memref<!tpu.dma_semaphore, #tpu.memory_space<semaphore_mem>>)
      %dma_wait3A = arith.constant 0 : i32
      %dma_wait3A_32 = arith.constant 0 : i32
      %dma_wait3A_33 = tpu.memref_slice %arg6[%dma_wait3A, %dma_wait3A_32] : memref<2x128xi32, #tpu.memory_space<vmem>> -> memref<1x128xi32, #tpu.memory_space<vmem>>
      %dma_wait3A_34 = tpu.memref_squeeze %dma_wait3A_33 : memref<1x128xi32, #tpu.memory_space<vmem>> -> memref<128xi32, #tpu.memory_space<vmem>>
      %dma_wait3A_35 = arith.constant 0 : i32
      %dma_wait3A_36 = arith.constant 0 : i32
      %dma_wait3A_37 = tpu.memref_slice %arg2[%dma_wait3A_35, %dma_wait3A_36] : memref<10000x128xf32, #tpu.memory_space<hbm>> -> memref<10000x128xf32, #tpu.memory_space<hbm>>
      tpu.wait_indirect_dma semaphore(%arg9 : memref<!tpu.dma_semaphore, #tpu.memory_space<semaphore_mem>>) src(%dma_wait3A_37 : memref<10000x128xf32, #tpu.memory_space<hbm>>) dst(%arg7 : memref<128x128xf32, #tpu.memory_space<vmem>>)
      %run_scoped3A = arith.constant 1 : i32
      "tpu.region"() ({
        %run_scoped3A_38 = tpu.sem_alloc : memref<!tpu.dma_semaphore, #tpu.memory_space<semaphore_mem>>
        %dma_start3A_39 = arith.constant 0 : i32
        %dma_start3A_40 = tpu.memref_slice %arg6[%run_scoped3A, %dma_start3A_39] : memref<2x128xi32, #tpu.memory_space<vmem>> -> memref<1x128xi32, #tpu.memory_space<vmem>>
        %dma_start3A_41 = tpu.memref_squeeze %dma_start3A_40 : memref<1x128xi32, #tpu.memory_space<vmem>> -> memref<128xi32, #tpu.memory_space<vmem>>
        %dma_start3A_42 = arith.constant 0 : i32
        %dma_start3A_43 = arith.constant 0 : i32
        %dma_start3A_44 = tpu.memref_slice %arg8[%dma_start3A_42, %dma_start3A_43] : memref<10240x128xf32, #tpu.memory_space<vmem_shared>> -> memref<10240x128xf32, #tpu.memory_space<vmem_shared>>
        tpu.enqueue_indirect_dma source(%arg7 : memref<128x128xf32, #tpu.memory_space<vmem>>) target(%dma_start3A_44 : memref<10240x128xf32, #tpu.memory_space<vmem_shared>>) offsets(%dma_start3A_41 : memref<128xi32, #tpu.memory_space<vmem>>) semaphore(%run_scoped3A_38 : memref<!tpu.dma_semaphore, #tpu.memory_space<semaphore_mem>>) {add = true}
        %dma_wait3A_45 = arith.constant 0 : i32
        %dma_wait3A_46 = tpu.memref_slice %arg6[%run_scoped3A, %dma_wait3A_45] : memref<2x128xi32, #tpu.memory_space<vmem>> -> memref<1x128xi32, #tpu.memory_space<vmem>>
        %dma_wait3A_47 = tpu.memref_squeeze %dma_wait3A_46 : memref<1x128xi32, #tpu.memory_space<vmem>> -> memref<128xi32, #tpu.memory_space<vmem>>
        %dma_wait3A_48 = arith.constant 0 : i32
        %dma_wait3A_49 = arith.constant 0 : i32
        %dma_wait3A_50 = tpu.memref_slice %arg8[%dma_wait3A_48, %dma_wait3A_49] : memref<10240x128xf32, #tpu.memory_space<vmem_shared>> -> memref<10240x128xf32, #tpu.memory_space<vmem_shared>>
        tpu.wait_indirect_dma semaphore(%run_scoped3A_38 : memref<!tpu.dma_semaphore, #tpu.memory_space<semaphore_mem>>) src(%arg7 : memref<128x128xf32, #tpu.memory_space<vmem>>) dst(%dma_wait3A_50 : memref<10240x128xf32, #tpu.memory_space<vmem_shared>>)
        tpu.yield
      }) : () -> ()
    }
    %scan3A_17 = arith.constant 79 : i32
    %barrier3A_18 = arith.constant 0 : index
    tpu.barrier barrier_id(%barrier3A_18)
    %mul3A_19 = arith.constant 10240 : i32
    %mul3A_20 = arith.muli %arg0, %mul3A_19 : i32
    %add3A_21 = arith.addi %mul3A_20, %mul3A_2 : i32
    "tpu.region"() ({
      %run_scoped3A = tpu.sem_alloc : memref<!tpu.dma_semaphore, #tpu.memory_space<semaphore_mem>>
      %dma_start3A = arith.constant 0 : i32
      %dma_start3A_22 = tpu.memref_slice %arg5[%add3A_21, %dma_start3A] : memref<20480x128xf32, #tpu.memory_space<hbm>> -> memref<640x128xf32, #tpu.memory_space<hbm>>
      %dma_start3A_23 = arith.constant 0 : i32
      %dma_start3A_24 = tpu.memref_slice %arg8[%mul3A_2, %dma_start3A_23] : memref<10240x128xf32, #tpu.memory_space<vmem_shared>> -> memref<640x128xf32, #tpu.memory_space<vmem_shared>>
      tpu.enqueue_dma source(%dma_start3A_24 : memref<640x128xf32, #tpu.memory_space<vmem_shared>>) target(%dma_start3A_22 : memref<640x128xf32, #tpu.memory_space<hbm>>) target_semaphore(%run_scoped3A : memref<!tpu.dma_semaphore, #tpu.memory_space<semaphore_mem>>)
      %dma_wait3A = arith.constant 0 : i32
      %dma_wait3A_25 = tpu.memref_slice %arg5[%add3A_21, %dma_wait3A] : memref<20480x128xf32, #tpu.memory_space<hbm>> -> memref<640x128xf32, #tpu.memory_space<hbm>>
      %dma_wait3A_26 = arith.constant 0 : i32
      %dma_wait3A_27 = tpu.memref_slice %arg8[%mul3A_2, %dma_wait3A_26] : memref<10240x128xf32, #tpu.memory_space<vmem_shared>> -> memref<640x128xf32, #tpu.memory_space<vmem_shared>>
      tpu.wait_dma2 semaphore(%run_scoped3A : memref<!tpu.dma_semaphore, #tpu.memory_space<semaphore_mem>>) src(%dma_wait3A_27 : memref<640x128xf32, #tpu.memory_space<vmem_shared>>) dst(%dma_wait3A_25 : memref<640x128xf32, #tpu.memory_space<hbm>>)
      tpu.yield
    }) : () -> ()
    return
  }
}

#map = affine_map<(d0, d1) -> (0, 0)>
#map1 = affine_map<(d0, d1) -> (0, 0, 0)>
module attributes {stable_mosaic.version = 14 : i64} {
  func.func @_sc_agg(%arg0: i32, %arg1: i32, %arg2: memref<10000x128xf32, #tpu.memory_space<hbm>>, %arg3: memref<2528x2x128xi32, #tpu.memory_space<hbm>>, %arg4: memref<128x128xf32, #tpu.memory_space<hbm>>, %arg5: memref<20480x128xf32, #tpu.memory_space<hbm>>, %arg6: memref<2x128xi32, #tpu.memory_space<vmem>>, %arg7: memref<128x128xf32, #tpu.memory_space<vmem>>, %arg8: memref<10240x128xf32, #tpu.memory_space<vmem_shared>>, %arg9: memref<!tpu.dma_semaphore, #tpu.memory_space<semaphore_mem>>) attributes {dimension_semantics = [#tpu.dimension_semantics<core_parallel>, #tpu.dimension_semantics<subcore_parallel>], iteration_bounds = array<i64: 2, 16>, scalar_prefetch = 0 : i64, scratch_operands = 4 : i64, tpu.core_type = #tpu.core_type<sc_vector_subcore>, window_params = [{transform_indices = #map}, {transform_indices = #map1}, {transform_indices = #map}, {transform_indices = #map}]} {
    %mul3A = arith.constant 16 : i32
    %mul3A_0 = arith.muli %arg0, %mul3A : i32
    %add3A = arith.addi %mul3A_0, %arg1 : i32
    %mul3A_1 = arith.constant 640 : i32
    %mul3A_2 = arith.muli %arg1, %mul3A_1 : i32
    "tpu.region"() ({
      %run_scoped3A = tpu.sem_alloc : memref<!tpu.dma_semaphore, #tpu.memory_space<semaphore_mem>>
      tpu.enqueue_dma source(%arg4 : memref<128x128xf32, #tpu.memory_space<hbm>>) target(%arg7 : memref<128x128xf32, #tpu.memory_space<vmem>>) target_semaphore(%run_scoped3A : memref<!tpu.dma_semaphore, #tpu.memory_space<semaphore_mem>>)
      tpu.wait_dma2 semaphore(%run_scoped3A : memref<!tpu.dma_semaphore, #tpu.memory_space<semaphore_mem>>) src(%arg4 : memref<128x128xf32, #tpu.memory_space<hbm>>) dst(%arg7 : memref<128x128xf32, #tpu.memory_space<vmem>>)
      tpu.yield
    }) : () -> ()
    %add3A_3 = arith.constant 0 : i32
    %add3A_4 = arith.addi %mul3A_2, %add3A_3 : i32
    "tpu.region"() ({
      %run_scoped3A = tpu.sem_alloc : memref<!tpu.dma_semaphore, #tpu.memory_space<semaphore_mem>>
      %dma_start3A = arith.constant 0 : i32
      %dma_start3A_22 = tpu.memref_slice %arg8[%add3A_4, %dma_start3A] : memref<10240x128xf32, #tpu.memory_space<vmem_shared>> -> memref<128x128xf32, #tpu.memory_space<vmem_shared>>
      %dma_start3A_23 = arith.constant 0 : i32
      %dma_start3A_24 = tpu.memref_slice %arg8[%add3A_4, %dma_start3A_23] : memref<10240x128xf32, #tpu.memory_space<vmem_shared>> -> memref<128x128xf32, #tpu.memory_space<vmem_shared>>
      tpu.enqueue_dma source(%arg7 : memref<128x128xf32, #tpu.memory_space<vmem>>) target(%dma_start3A_24 : memref<128x128xf32, #tpu.memory_space<vmem_shared>>) target_semaphore(%run_scoped3A : memref<!tpu.dma_semaphore, #tpu.memory_space<semaphore_mem>>)
      %dma_wait3A = arith.constant 0 : i32
      %dma_wait3A_25 = tpu.memref_slice %arg8[%add3A_4, %dma_wait3A] : memref<10240x128xf32, #tpu.memory_space<vmem_shared>> -> memref<128x128xf32, #tpu.memory_space<vmem_shared>>
      %dma_wait3A_26 = arith.constant 0 : i32
      %dma_wait3A_27 = tpu.memref_slice %arg8[%add3A_4, %dma_wait3A_26] : memref<10240x128xf32, #tpu.memory_space<vmem_shared>> -> memref<128x128xf32, #tpu.memory_space<vmem_shared>>
      tpu.wait_dma2 semaphore(%run_scoped3A : memref<!tpu.dma_semaphore, #tpu.memory_space<semaphore_mem>>) src(%arg7 : memref<128x128xf32, #tpu.memory_space<vmem>>) dst(%dma_wait3A_27 : memref<128x128xf32, #tpu.memory_space<vmem_shared>>)
      tpu.yield
    }) : () -> ()
    %add3A_5 = arith.constant 128 : i32
    %add3A_6 = arith.addi %mul3A_2, %add3A_5 : i32
    "tpu.region"() ({
      %run_scoped3A = tpu.sem_alloc : memref<!tpu.dma_semaphore, #tpu.memory_space<semaphore_mem>>
      %dma_start3A = arith.constant 0 : i32
      %dma_start3A_22 = tpu.memref_slice %arg8[%add3A_6, %dma_start3A] : memref<10240x128xf32, #tpu.memory_space<vmem_shared>> -> memref<128x128xf32, #tpu.memory_space<vmem_shared>>
      %dma_start3A_23 = arith.constant 0 : i32
      %dma_start3A_24 = tpu.memref_slice %arg8[%add3A_6, %dma_start3A_23] : memref<10240x128xf32, #tpu.memory_space<vmem_shared>> -> memref<128x128xf32, #tpu.memory_space<vmem_shared>>
      tpu.enqueue_dma source(%arg7 : memref<128x128xf32, #tpu.memory_space<vmem>>) target(%dma_start3A_24 : memref<128x128xf32, #tpu.memory_space<vmem_shared>>) target_semaphore(%run_scoped3A : memref<!tpu.dma_semaphore, #tpu.memory_space<semaphore_mem>>)
      %dma_wait3A = arith.constant 0 : i32
      %dma_wait3A_25 = tpu.memref_slice %arg8[%add3A_6, %dma_wait3A] : memref<10240x128xf32, #tpu.memory_space<vmem_shared>> -> memref<128x128xf32, #tpu.memory_space<vmem_shared>>
      %dma_wait3A_26 = arith.constant 0 : i32
      %dma_wait3A_27 = tpu.memref_slice %arg8[%add3A_6, %dma_wait3A_26] : memref<10240x128xf32, #tpu.memory_space<vmem_shared>> -> memref<128x128xf32, #tpu.memory_space<vmem_shared>>
      tpu.wait_dma2 semaphore(%run_scoped3A : memref<!tpu.dma_semaphore, #tpu.memory_space<semaphore_mem>>) src(%arg7 : memref<128x128xf32, #tpu.memory_space<vmem>>) dst(%dma_wait3A_27 : memref<128x128xf32, #tpu.memory_space<vmem_shared>>)
      tpu.yield
    }) : () -> ()
    %add3A_7 = arith.constant 256 : i32
    %add3A_8 = arith.addi %mul3A_2, %add3A_7 : i32
    "tpu.region"() ({
      %run_scoped3A = tpu.sem_alloc : memref<!tpu.dma_semaphore, #tpu.memory_space<semaphore_mem>>
      %dma_start3A = arith.constant 0 : i32
      %dma_start3A_22 = tpu.memref_slice %arg8[%add3A_8, %dma_start3A] : memref<10240x128xf32, #tpu.memory_space<vmem_shared>> -> memref<128x128xf32, #tpu.memory_space<vmem_shared>>
      %dma_start3A_23 = arith.constant 0 : i32
      %dma_start3A_24 = tpu.memref_slice %arg8[%add3A_8, %dma_start3A_23] : memref<10240x128xf32, #tpu.memory_space<vmem_shared>> -> memref<128x128xf32, #tpu.memory_space<vmem_shared>>
      tpu.enqueue_dma source(%arg7 : memref<128x128xf32, #tpu.memory_space<vmem>>) target(%dma_start3A_24 : memref<128x128xf32, #tpu.memory_space<vmem_shared>>) target_semaphore(%run_scoped3A : memref<!tpu.dma_semaphore, #tpu.memory_space<semaphore_mem>>)
      %dma_wait3A = arith.constant 0 : i32
      %dma_wait3A_25 = tpu.memref_slice %arg8[%add3A_8, %dma_wait3A] : memref<10240x128xf32, #tpu.memory_space<vmem_shared>> -> memref<128x128xf32, #tpu.memory_space<vmem_shared>>
      %dma_wait3A_26 = arith.constant 0 : i32
      %dma_wait3A_27 = tpu.memref_slice %arg8[%add3A_8, %dma_wait3A_26] : memref<10240x128xf32, #tpu.memory_space<vmem_shared>> -> memref<128x128xf32, #tpu.memory_space<vmem_shared>>
      tpu.wait_dma2 semaphore(%run_scoped3A : memref<!tpu.dma_semaphore, #tpu.memory_space<semaphore_mem>>) src(%arg7 : memref<128x128xf32, #tpu.memory_space<vmem>>) dst(%dma_wait3A_27 : memref<128x128xf32, #tpu.memory_space<vmem_shared>>)
      tpu.yield
    }) : () -> ()
    %add3A_9 = arith.constant 384 : i32
    %add3A_10 = arith.addi %mul3A_2, %add3A_9 : i32
    "tpu.region"() ({
      %run_scoped3A = tpu.sem_alloc : memref<!tpu.dma_semaphore, #tpu.memory_space<semaphore_mem>>
      %dma_start3A = arith.constant 0 : i32
      %dma_start3A_22 = tpu.memref_slice %arg8[%add3A_10, %dma_start3A] : memref<10240x128xf32, #tpu.memory_space<vmem_shared>> -> memref<128x128xf32, #tpu.memory_space<vmem_shared>>
      %dma_start3A_23 = arith.constant 0 : i32
      %dma_start3A_24 = tpu.memref_slice %arg8[%add3A_10, %dma_start3A_23] : memref<10240x128xf32, #tpu.memory_space<vmem_shared>> -> memref<128x128xf32, #tpu.memory_space<vmem_shared>>
      tpu.enqueue_dma source(%arg7 : memref<128x128xf32, #tpu.memory_space<vmem>>) target(%dma_start3A_24 : memref<128x128xf32, #tpu.memory_space<vmem_shared>>) target_semaphore(%run_scoped3A : memref<!tpu.dma_semaphore, #tpu.memory_space<semaphore_mem>>)
      %dma_wait3A = arith.constant 0 : i32
      %dma_wait3A_25 = tpu.memref_slice %arg8[%add3A_10, %dma_wait3A] : memref<10240x128xf32, #tpu.memory_space<vmem_shared>> -> memref<128x128xf32, #tpu.memory_space<vmem_shared>>
      %dma_wait3A_26 = arith.constant 0 : i32
      %dma_wait3A_27 = tpu.memref_slice %arg8[%add3A_10, %dma_wait3A_26] : memref<10240x128xf32, #tpu.memory_space<vmem_shared>> -> memref<128x128xf32, #tpu.memory_space<vmem_shared>>
      tpu.wait_dma2 semaphore(%run_scoped3A : memref<!tpu.dma_semaphore, #tpu.memory_space<semaphore_mem>>) src(%arg7 : memref<128x128xf32, #tpu.memory_space<vmem>>) dst(%dma_wait3A_27 : memref<128x128xf32, #tpu.memory_space<vmem_shared>>)
      tpu.yield
    }) : () -> ()
    %add3A_11 = arith.constant 512 : i32
    %add3A_12 = arith.addi %mul3A_2, %add3A_11 : i32
    "tpu.region"() ({
      %run_scoped3A = tpu.sem_alloc : memref<!tpu.dma_semaphore, #tpu.memory_space<semaphore_mem>>
      %dma_start3A = arith.constant 0 : i32
      %dma_start3A_22 = tpu.memref_slice %arg8[%add3A_12, %dma_start3A] : memref<10240x128xf32, #tpu.memory_space<vmem_shared>> -> memref<128x128xf32, #tpu.memory_space<vmem_shared>>
      %dma_start3A_23 = arith.constant 0 : i32
      %dma_start3A_24 = tpu.memref_slice %arg8[%add3A_12, %dma_start3A_23] : memref<10240x128xf32, #tpu.memory_space<vmem_shared>> -> memref<128x128xf32, #tpu.memory_space<vmem_shared>>
      tpu.enqueue_dma source(%arg7 : memref<128x128xf32, #tpu.memory_space<vmem>>) target(%dma_start3A_24 : memref<128x128xf32, #tpu.memory_space<vmem_shared>>) target_semaphore(%run_scoped3A : memref<!tpu.dma_semaphore, #tpu.memory_space<semaphore_mem>>)
      %dma_wait3A = arith.constant 0 : i32
      %dma_wait3A_25 = tpu.memref_slice %arg8[%add3A_12, %dma_wait3A] : memref<10240x128xf32, #tpu.memory_space<vmem_shared>> -> memref<128x128xf32, #tpu.memory_space<vmem_shared>>
      %dma_wait3A_26 = arith.constant 0 : i32
      %dma_wait3A_27 = tpu.memref_slice %arg8[%add3A_12, %dma_wait3A_26] : memref<10240x128xf32, #tpu.memory_space<vmem_shared>> -> memref<128x128xf32, #tpu.memory_space<vmem_shared>>
      tpu.wait_dma2 semaphore(%run_scoped3A : memref<!tpu.dma_semaphore, #tpu.memory_space<semaphore_mem>>) src(%arg7 : memref<128x128xf32, #tpu.memory_space<vmem>>) dst(%dma_wait3A_27 : memref<128x128xf32, #tpu.memory_space<vmem_shared>>)
      tpu.yield
    }) : () -> ()
    %barrier3A = arith.constant 0 : index
    tpu.barrier barrier_id(%barrier3A)
    %scan3A = arith.constant 0 : i32
    %scan3A_13 = arith.constant 0 : i32
    %scan3A_14 = arith.constant 79 : i32
    %scan3A_15 = arith.addi %scan3A_13, %scan3A_14 : i32
    %scan3A_16 = arith.constant 1 : i32
    scf.for %scan3A_22 = %scan3A_13 to %scan3A_15 step %scan3A_16  : i32 {
      %mul3A_23 = arith.constant 79 : i32
      %mul3A_24 = arith.muli %add3A, %mul3A_23 : i32
      %add3A_25 = arith.addi %mul3A_24, %scan3A_22 : i32
      "tpu.region"() ({
        %run_scoped3A_38 = tpu.sem_alloc : memref<!tpu.dma_semaphore, #tpu.memory_space<semaphore_mem>>
        %dma_start3A_39 = arith.constant 0 : i32
        %dma_start3A_40 = arith.constant 0 : i32
        %dma_start3A_41 = tpu.memref_slice %arg3[%add3A_25, %dma_start3A_39, %dma_start3A_40] : memref<2528x2x128xi32, #tpu.memory_space<hbm>> -> memref<1x2x128xi32, #tpu.memory_space<hbm>>
        %dma_start3A_42 = tpu.memref_squeeze %dma_start3A_41 : memref<1x2x128xi32, #tpu.memory_space<hbm>> -> memref<2x128xi32, #tpu.memory_space<hbm>>
        %dma_start3A_43 = arith.constant 0 : i32
        %dma_start3A_44 = arith.constant 0 : i32
        %dma_start3A_45 = tpu.memref_slice %arg3[%add3A_25, %dma_start3A_43, %dma_start3A_44] : memref<2528x2x128xi32, #tpu.memory_space<hbm>> -> memref<1x2x128xi32, #tpu.memory_space<hbm>>
        %dma_start3A_46 = tpu.memref_squeeze %dma_start3A_45 : memref<1x2x128xi32, #tpu.memory_space<hbm>> -> memref<2x128xi32, #tpu.memory_space<hbm>>
        tpu.enqueue_dma source(%dma_start3A_46 : memref<2x128xi32, #tpu.memory_space<hbm>>) target(%arg6 : memref<2x128xi32, #tpu.memory_space<vmem>>) target_semaphore(%run_scoped3A_38 : memref<!tpu.dma_semaphore, #tpu.memory_space<semaphore_mem>>)
        %dma_wait3A_47 = arith.constant 0 : i32
        %dma_wait3A_48 = arith.constant 0 : i32
        %dma_wait3A_49 = tpu.memref_slice %arg3[%add3A_25, %dma_wait3A_47, %dma_wait3A_48] : memref<2528x2x128xi32, #tpu.memory_space<hbm>> -> memref<1x2x128xi32, #tpu.memory_space<hbm>>
        %dma_wait3A_50 = tpu.memref_squeeze %dma_wait3A_49 : memref<1x2x128xi32, #tpu.memory_space<hbm>> -> memref<2x128xi32, #tpu.memory_space<hbm>>
        %dma_wait3A_51 = arith.constant 0 : i32
        %dma_wait3A_52 = arith.constant 0 : i32
        %dma_wait3A_53 = tpu.memref_slice %arg3[%add3A_25, %dma_wait3A_51, %dma_wait3A_52] : memref<2528x2x128xi32, #tpu.memory_space<hbm>> -> memref<1x2x128xi32, #tpu.memory_space<hbm>>
        %dma_wait3A_54 = tpu.memref_squeeze %dma_wait3A_53 : memref<1x2x128xi32, #tpu.memory_space<hbm>> -> memref<2x128xi32, #tpu.memory_space<hbm>>
        tpu.wait_dma2 semaphore(%run_scoped3A_38 : memref<!tpu.dma_semaphore, #tpu.memory_space<semaphore_mem>>) src(%dma_wait3A_54 : memref<2x128xi32, #tpu.memory_space<hbm>>) dst(%arg6 : memref<2x128xi32, #tpu.memory_space<vmem>>)
        tpu.yield
      }) : () -> ()
      %dma_start3A = arith.constant 0 : i32
      %dma_start3A_26 = arith.constant 0 : i32
      %dma_start3A_27 = tpu.memref_slice %arg6[%dma_start3A, %dma_start3A_26] : memref<2x128xi32, #tpu.memory_space<vmem>> -> memref<1x128xi32, #tpu.memory_space<vmem>>
      %dma_start3A_28 = tpu.memref_squeeze %dma_start3A_27 : memref<1x128xi32, #tpu.memory_space<vmem>> -> memref<128xi32, #tpu.memory_space<vmem>>
      %dma_start3A_29 = arith.constant 0 : i32
      %dma_start3A_30 = arith.constant 0 : i32
      %dma_start3A_31 = tpu.memref_slice %arg2[%dma_start3A_29, %dma_start3A_30] : memref<10000x128xf32, #tpu.memory_space<hbm>> -> memref<10000x128xf32, #tpu.memory_space<hbm>>
      tpu.enqueue_indirect_dma source(%dma_start3A_31 : memref<10000x128xf32, #tpu.memory_space<hbm>>) target(%arg7 : memref<128x128xf32, #tpu.memory_space<vmem>>) offsets(%dma_start3A_28 : memref<128xi32, #tpu.memory_space<vmem>>) semaphore(%arg9 : memref<!tpu.dma_semaphore, #tpu.memory_space<semaphore_mem>>)
      %dma_wait3A = arith.constant 0 : i32
      %dma_wait3A_32 = arith.constant 0 : i32
      %dma_wait3A_33 = tpu.memref_slice %arg6[%dma_wait3A, %dma_wait3A_32] : memref<2x128xi32, #tpu.memory_space<vmem>> -> memref<1x128xi32, #tpu.memory_space<vmem>>
      %dma_wait3A_34 = tpu.memref_squeeze %dma_wait3A_33 : memref<1x128xi32, #tpu.memory_space<vmem>> -> memref<128xi32, #tpu.memory_space<vmem>>
      %dma_wait3A_35 = arith.constant 0 : i32
      %dma_wait3A_36 = arith.constant 0 : i32
      %dma_wait3A_37 = tpu.memref_slice %arg2[%dma_wait3A_35, %dma_wait3A_36] : memref<10000x128xf32, #tpu.memory_space<hbm>> -> memref<10000x128xf32, #tpu.memory_space<hbm>>
      tpu.wait_indirect_dma semaphore(%arg9 : memref<!tpu.dma_semaphore, #tpu.memory_space<semaphore_mem>>) src(%dma_wait3A_37 : memref<10000x128xf32, #tpu.memory_space<hbm>>) dst(%arg7 : memref<128x128xf32, #tpu.memory_space<vmem>>)
      %run_scoped3A = arith.constant 1 : i32
      "tpu.region"() ({
        %run_scoped3A_38 = tpu.sem_alloc : memref<!tpu.dma_semaphore, #tpu.memory_space<semaphore_mem>>
        %dma_start3A_39 = arith.constant 0 : i32
        %dma_start3A_40 = tpu.memref_slice %arg6[%run_scoped3A, %dma_start3A_39] : memref<2x128xi32, #tpu.memory_space<vmem>> -> memref<1x128xi32, #tpu.memory_space<vmem>>
        %dma_start3A_41 = tpu.memref_squeeze %dma_start3A_40 : memref<1x128xi32, #tpu.memory_space<vmem>> -> memref<128xi32, #tpu.memory_space<vmem>>
        %dma_start3A_42 = arith.constant 0 : i32
        %dma_start3A_43 = arith.constant 0 : i32
        %dma_start3A_44 = tpu.memref_slice %arg8[%dma_start3A_42, %dma_start3A_43] : memref<10240x128xf32, #tpu.memory_space<vmem_shared>> -> memref<10240x128xf32, #tpu.memory_space<vmem_shared>>
        tpu.enqueue_indirect_dma source(%arg7 : memref<128x128xf32, #tpu.memory_space<vmem>>) target(%dma_start3A_44 : memref<10240x128xf32, #tpu.memory_space<vmem_shared>>) offsets(%dma_start3A_41 : memref<128xi32, #tpu.memory_space<vmem>>) semaphore(%run_scoped3A_38 : memref<!tpu.dma_semaphore, #tpu.memory_space<semaphore_mem>>) {add = true}
        %dma_wait3A_45 = arith.constant 0 : i32
        %dma_wait3A_46 = tpu.memref_slice %arg6[%run_scoped3A, %dma_wait3A_45] : memref<2x128xi32, #tpu.memory_space<vmem>> -> memref<1x128xi32, #tpu.memory_space<vmem>>
        %dma_wait3A_47 = tpu.memref_squeeze %dma_wait3A_46 : memref<1x128xi32, #tpu.memory_space<vmem>> -> memref<128xi32, #tpu.memory_space<vmem>>
        %dma_wait3A_48 = arith.constant 0 : i32
        %dma_wait3A_49 = arith.constant 0 : i32
        %dma_wait3A_50 = tpu.memref_slice %arg8[%dma_wait3A_48, %dma_wait3A_49] : memref<10240x128xf32, #tpu.memory_space<vmem_shared>> -> memref<10240x128xf32, #tpu.memory_space<vmem_shared>>
        tpu.wait_indirect_dma semaphore(%run_scoped3A_38 : memref<!tpu.dma_semaphore, #tpu.memory_space<semaphore_mem>>) src(%arg7 : memref<128x128xf32, #tpu.memory_space<vmem>>) dst(%dma_wait3A_50 : memref<10240x128xf32, #tpu.memory_space<vmem_shared>>)
        tpu.yield
      }) : () -> ()
    }
    %scan3A_17 = arith.constant 79 : i32
    %barrier3A_18 = arith.constant 0 : index
    tpu.barrier barrier_id(%barrier3A_18)
    %mul3A_19 = arith.constant 10240 : i32
    %mul3A_20 = arith.muli %arg0, %mul3A_19 : i32
    %add3A_21 = arith.addi %mul3A_20, %mul3A_2 : i32
    "tpu.region"() ({
      %run_scoped3A = tpu.sem_alloc : memref<!tpu.dma_semaphore, #tpu.memory_space<semaphore_mem>>
      %dma_start3A = arith.constant 0 : i32
      %dma_start3A_22 = tpu.memref_slice %arg5[%add3A_21, %dma_start3A] : memref<20480x128xf32, #tpu.memory_space<hbm>> -> memref<640x128xf32, #tpu.memory_space<hbm>>
      %dma_start3A_23 = arith.constant 0 : i32
      %dma_start3A_24 = tpu.memref_slice %arg8[%mul3A_2, %dma_start3A_23] : memref<10240x128xf32, #tpu.memory_space<vmem_shared>> -> memref<640x128xf32, #tpu.memory_space<vmem_shared>>
      tpu.enqueue_dma source(%dma_start3A_24 : memref<640x128xf32, #tpu.memory_space<vmem_shared>>) target(%dma_start3A_22 : memref<640x128xf32, #tpu.memory_space<hbm>>) target_semaphore(%run_scoped3A : memref<!tpu.dma_semaphore, #tpu.memory_space<semaphore_mem>>)
      %dma_wait3A = arith.constant 0 : i32
      %dma_wait3A_25 = tpu.memref_slice %arg5[%add3A_21, %dma_wait3A] : memref<20480x128xf32, #tpu.memory_space<hbm>> -> memref<640x128xf32, #tpu.memory_space<hbm>>
      %dma_wait3A_26 = arith.constant 0 : i32
      %dma_wait3A_27 = tpu.memref_slice %arg8[%mul3A_2, %dma_wait3A_26] : memref<10240x128xf32, #tpu.memory_space<vmem_shared>> -> memref<640x128xf32, #tpu.memory_space<vmem_shared>>
      tpu.wait_dma2 semaphore(%run_scoped3A : memref<!tpu.dma_semaphore, #tpu.memory_space<semaphore_mem>>) src(%dma_wait3A_27 : memref<640x128xf32, #tpu.memory_space<vmem_shared>>) dst(%dma_wait3A_25 : memref<640x128xf32, #tpu.memory_space<hbm>>)
      tpu.yield
    }) : () -> ()
    return
  }
}

#map = affine_map<(d0, d1) -> (0)>
#map1 = affine_map<(d0, d1) -> (0, 0)>
module attributes {stable_mosaic.version = 14 : i64} {
  func.func @_sc_deg(%arg0: i32, %arg1: i32, %arg2: memref<323584xi32, #tpu.memory_space<hbm>>, %arg3: memref<128x128xf32, #tpu.memory_space<hbm>>, %arg4: memref<128x128xf32, #tpu.memory_space<hbm>>, %arg5: memref<20480x128xf32, #tpu.memory_space<hbm>>, %arg6: memref<128xi32, #tpu.memory_space<vmem>>, %arg7: memref<128x128xf32, #tpu.memory_space<vmem>>, %arg8: memref<10240x128xf32, #tpu.memory_space<vmem_shared>>) attributes {dimension_semantics = [#tpu.dimension_semantics<core_parallel>, #tpu.dimension_semantics<subcore_parallel>], iteration_bounds = array<i64: 2, 16>, scalar_prefetch = 0 : i64, scratch_operands = 3 : i64, tpu.core_type = #tpu.core_type<sc_vector_subcore>, window_params = [{transform_indices = #map}, {transform_indices = #map1}, {transform_indices = #map1}, {transform_indices = #map1}]} {
    %mul3A = arith.constant 16 : i32
    %mul3A_0 = arith.muli %arg0, %mul3A : i32
    %add3A = arith.addi %mul3A_0, %arg1 : i32
    %mul3A_1 = arith.constant 640 : i32
    %mul3A_2 = arith.muli %arg1, %mul3A_1 : i32
    "tpu.region"() ({
      %run_scoped3A = tpu.sem_alloc : memref<!tpu.dma_semaphore, #tpu.memory_space<semaphore_mem>>
      tpu.enqueue_dma source(%arg3 : memref<128x128xf32, #tpu.memory_space<hbm>>) target(%arg7 : memref<128x128xf32, #tpu.memory_space<vmem>>) target_semaphore(%run_scoped3A : memref<!tpu.dma_semaphore, #tpu.memory_space<semaphore_mem>>)
      tpu.wait_dma2 semaphore(%run_scoped3A : memref<!tpu.dma_semaphore, #tpu.memory_space<semaphore_mem>>) src(%arg3 : memref<128x128xf32, #tpu.memory_space<hbm>>) dst(%arg7 : memref<128x128xf32, #tpu.memory_space<vmem>>)
      tpu.yield
    }) : () -> ()
    %add3A_3 = arith.constant 0 : i32
    %add3A_4 = arith.addi %mul3A_2, %add3A_3 : i32
    "tpu.region"() ({
      %run_scoped3A = tpu.sem_alloc : memref<!tpu.dma_semaphore, #tpu.memory_space<semaphore_mem>>
      %dma_start3A = arith.constant 0 : i32
      %dma_start3A_22 = tpu.memref_slice %arg8[%add3A_4, %dma_start3A] : memref<10240x128xf32, #tpu.memory_space<vmem_shared>> -> memref<128x128xf32, #tpu.memory_space<vmem_shared>>
      %dma_start3A_23 = arith.constant 0 : i32
      %dma_start3A_24 = tpu.memref_slice %arg8[%add3A_4, %dma_start3A_23] : memref<10240x128xf32, #tpu.memory_space<vmem_shared>> -> memref<128x128xf32, #tpu.memory_space<vmem_shared>>
      tpu.enqueue_dma source(%arg7 : memref<128x128xf32, #tpu.memory_space<vmem>>) target(%dma_start3A_24 : memref<128x128xf32, #tpu.memory_space<vmem_shared>>) target_semaphore(%run_scoped3A : memref<!tpu.dma_semaphore, #tpu.memory_space<semaphore_mem>>)
      %dma_wait3A = arith.constant 0 : i32
      %dma_wait3A_25 = tpu.memref_slice %arg8[%add3A_4, %dma_wait3A] : memref<10240x128xf32, #tpu.memory_space<vmem_shared>> -> memref<128x128xf32, #tpu.memory_space<vmem_shared>>
      %dma_wait3A_26 = arith.constant 0 : i32
      %dma_wait3A_27 = tpu.memref_slice %arg8[%add3A_4, %dma_wait3A_26] : memref<10240x128xf32, #tpu.memory_space<vmem_shared>> -> memref<128x128xf32, #tpu.memory_space<vmem_shared>>
      tpu.wait_dma2 semaphore(%run_scoped3A : memref<!tpu.dma_semaphore, #tpu.memory_space<semaphore_mem>>) src(%arg7 : memref<128x128xf32, #tpu.memory_space<vmem>>) dst(%dma_wait3A_27 : memref<128x128xf32, #tpu.memory_space<vmem_shared>>)
      tpu.yield
    }) : () -> ()
    %add3A_5 = arith.constant 128 : i32
    %add3A_6 = arith.addi %mul3A_2, %add3A_5 : i32
    "tpu.region"() ({
      %run_scoped3A = tpu.sem_alloc : memref<!tpu.dma_semaphore, #tpu.memory_space<semaphore_mem>>
      %dma_start3A = arith.constant 0 : i32
      %dma_start3A_22 = tpu.memref_slice %arg8[%add3A_6, %dma_start3A] : memref<10240x128xf32, #tpu.memory_space<vmem_shared>> -> memref<128x128xf32, #tpu.memory_space<vmem_shared>>
      %dma_start3A_23 = arith.constant 0 : i32
      %dma_start3A_24 = tpu.memref_slice %arg8[%add3A_6, %dma_start3A_23] : memref<10240x128xf32, #tpu.memory_space<vmem_shared>> -> memref<128x128xf32, #tpu.memory_space<vmem_shared>>
      tpu.enqueue_dma source(%arg7 : memref<128x128xf32, #tpu.memory_space<vmem>>) target(%dma_start3A_24 : memref<128x128xf32, #tpu.memory_space<vmem_shared>>) target_semaphore(%run_scoped3A : memref<!tpu.dma_semaphore, #tpu.memory_space<semaphore_mem>>)
      %dma_wait3A = arith.constant 0 : i32
      %dma_wait3A_25 = tpu.memref_slice %arg8[%add3A_6, %dma_wait3A] : memref<10240x128xf32, #tpu.memory_space<vmem_shared>> -> memref<128x128xf32, #tpu.memory_space<vmem_shared>>
      %dma_wait3A_26 = arith.constant 0 : i32
      %dma_wait3A_27 = tpu.memref_slice %arg8[%add3A_6, %dma_wait3A_26] : memref<10240x128xf32, #tpu.memory_space<vmem_shared>> -> memref<128x128xf32, #tpu.memory_space<vmem_shared>>
      tpu.wait_dma2 semaphore(%run_scoped3A : memref<!tpu.dma_semaphore, #tpu.memory_space<semaphore_mem>>) src(%arg7 : memref<128x128xf32, #tpu.memory_space<vmem>>) dst(%dma_wait3A_27 : memref<128x128xf32, #tpu.memory_space<vmem_shared>>)
      tpu.yield
    }) : () -> ()
    %add3A_7 = arith.constant 256 : i32
    %add3A_8 = arith.addi %mul3A_2, %add3A_7 : i32
    "tpu.region"() ({
      %run_scoped3A = tpu.sem_alloc : memref<!tpu.dma_semaphore, #tpu.memory_space<semaphore_mem>>
      %dma_start3A = arith.constant 0 : i32
      %dma_start3A_22 = tpu.memref_slice %arg8[%add3A_8, %dma_start3A] : memref<10240x128xf32, #tpu.memory_space<vmem_shared>> -> memref<128x128xf32, #tpu.memory_space<vmem_shared>>
      %dma_start3A_23 = arith.constant 0 : i32
      %dma_start3A_24 = tpu.memref_slice %arg8[%add3A_8, %dma_start3A_23] : memref<10240x128xf32, #tpu.memory_space<vmem_shared>> -> memref<128x128xf32, #tpu.memory_space<vmem_shared>>
      tpu.enqueue_dma source(%arg7 : memref<128x128xf32, #tpu.memory_space<vmem>>) target(%dma_start3A_24 : memref<128x128xf32, #tpu.memory_space<vmem_shared>>) target_semaphore(%run_scoped3A : memref<!tpu.dma_semaphore, #tpu.memory_space<semaphore_mem>>)
      %dma_wait3A = arith.constant 0 : i32
      %dma_wait3A_25 = tpu.memref_slice %arg8[%add3A_8, %dma_wait3A] : memref<10240x128xf32, #tpu.memory_space<vmem_shared>> -> memref<128x128xf32, #tpu.memory_space<vmem_shared>>
      %dma_wait3A_26 = arith.constant 0 : i32
      %dma_wait3A_27 = tpu.memref_slice %arg8[%add3A_8, %dma_wait3A_26] : memref<10240x128xf32, #tpu.memory_space<vmem_shared>> -> memref<128x128xf32, #tpu.memory_space<vmem_shared>>
      tpu.wait_dma2 semaphore(%run_scoped3A : memref<!tpu.dma_semaphore, #tpu.memory_space<semaphore_mem>>) src(%arg7 : memref<128x128xf32, #tpu.memory_space<vmem>>) dst(%dma_wait3A_27 : memref<128x128xf32, #tpu.memory_space<vmem_shared>>)
      tpu.yield
    }) : () -> ()
    %add3A_9 = arith.constant 384 : i32
    %add3A_10 = arith.addi %mul3A_2, %add3A_9 : i32
    "tpu.region"() ({
      %run_scoped3A = tpu.sem_alloc : memref<!tpu.dma_semaphore, #tpu.memory_space<semaphore_mem>>
      %dma_start3A = arith.constant 0 : i32
      %dma_start3A_22 = tpu.memref_slice %arg8[%add3A_10, %dma_start3A] : memref<10240x128xf32, #tpu.memory_space<vmem_shared>> -> memref<128x128xf32, #tpu.memory_space<vmem_shared>>
      %dma_start3A_23 = arith.constant 0 : i32
      %dma_start3A_24 = tpu.memref_slice %arg8[%add3A_10, %dma_start3A_23] : memref<10240x128xf32, #tpu.memory_space<vmem_shared>> -> memref<128x128xf32, #tpu.memory_space<vmem_shared>>
      tpu.enqueue_dma source(%arg7 : memref<128x128xf32, #tpu.memory_space<vmem>>) target(%dma_start3A_24 : memref<128x128xf32, #tpu.memory_space<vmem_shared>>) target_semaphore(%run_scoped3A : memref<!tpu.dma_semaphore, #tpu.memory_space<semaphore_mem>>)
      %dma_wait3A = arith.constant 0 : i32
      %dma_wait3A_25 = tpu.memref_slice %arg8[%add3A_10, %dma_wait3A] : memref<10240x128xf32, #tpu.memory_space<vmem_shared>> -> memref<128x128xf32, #tpu.memory_space<vmem_shared>>
      %dma_wait3A_26 = arith.constant 0 : i32
      %dma_wait3A_27 = tpu.memref_slice %arg8[%add3A_10, %dma_wait3A_26] : memref<10240x128xf32, #tpu.memory_space<vmem_shared>> -> memref<128x128xf32, #tpu.memory_space<vmem_shared>>
      tpu.wait_dma2 semaphore(%run_scoped3A : memref<!tpu.dma_semaphore, #tpu.memory_space<semaphore_mem>>) src(%arg7 : memref<128x128xf32, #tpu.memory_space<vmem>>) dst(%dma_wait3A_27 : memref<128x128xf32, #tpu.memory_space<vmem_shared>>)
      tpu.yield
    }) : () -> ()
    %add3A_11 = arith.constant 512 : i32
    %add3A_12 = arith.addi %mul3A_2, %add3A_11 : i32
    "tpu.region"() ({
      %run_scoped3A = tpu.sem_alloc : memref<!tpu.dma_semaphore, #tpu.memory_space<semaphore_mem>>
      %dma_start3A = arith.constant 0 : i32
      %dma_start3A_22 = tpu.memref_slice %arg8[%add3A_12, %dma_start3A] : memref<10240x128xf32, #tpu.memory_space<vmem_shared>> -> memref<128x128xf32, #tpu.memory_space<vmem_shared>>
      %dma_start3A_23 = arith.constant 0 : i32
      %dma_start3A_24 = tpu.memref_slice %arg8[%add3A_12, %dma_start3A_23] : memref<10240x128xf32, #tpu.memory_space<vmem_shared>> -> memref<128x128xf32, #tpu.memory_space<vmem_shared>>
      tpu.enqueue_dma source(%arg7 : memref<128x128xf32, #tpu.memory_space<vmem>>) target(%dma_start3A_24 : memref<128x128xf32, #tpu.memory_space<vmem_shared>>) target_semaphore(%run_scoped3A : memref<!tpu.dma_semaphore, #tpu.memory_space<semaphore_mem>>)
      %dma_wait3A = arith.constant 0 : i32
      %dma_wait3A_25 = tpu.memref_slice %arg8[%add3A_12, %dma_wait3A] : memref<10240x128xf32, #tpu.memory_space<vmem_shared>> -> memref<128x128xf32, #tpu.memory_space<vmem_shared>>
      %dma_wait3A_26 = arith.constant 0 : i32
      %dma_wait3A_27 = tpu.memref_slice %arg8[%add3A_12, %dma_wait3A_26] : memref<10240x128xf32, #tpu.memory_space<vmem_shared>> -> memref<128x128xf32, #tpu.memory_space<vmem_shared>>
      tpu.wait_dma2 semaphore(%run_scoped3A : memref<!tpu.dma_semaphore, #tpu.memory_space<semaphore_mem>>) src(%arg7 : memref<128x128xf32, #tpu.memory_space<vmem>>) dst(%dma_wait3A_27 : memref<128x128xf32, #tpu.memory_space<vmem_shared>>)
      tpu.yield
    }) : () -> ()
    "tpu.region"() ({
      %run_scoped3A = tpu.sem_alloc : memref<!tpu.dma_semaphore, #tpu.memory_space<semaphore_mem>>
      tpu.enqueue_dma source(%arg4 : memref<128x128xf32, #tpu.memory_space<hbm>>) target(%arg7 : memref<128x128xf32, #tpu.memory_space<vmem>>) target_semaphore(%run_scoped3A : memref<!tpu.dma_semaphore, #tpu.memory_space<semaphore_mem>>)
      tpu.wait_dma2 semaphore(%run_scoped3A : memref<!tpu.dma_semaphore, #tpu.memory_space<semaphore_mem>>) src(%arg4 : memref<128x128xf32, #tpu.memory_space<hbm>>) dst(%arg7 : memref<128x128xf32, #tpu.memory_space<vmem>>)
      tpu.yield
    }) : () -> ()
    %barrier3A = arith.constant 0 : index
    tpu.barrier barrier_id(%barrier3A)
    %scan3A = arith.constant 0 : i32
    %scan3A_13 = arith.constant 0 : i32
    %scan3A_14 = arith.constant 79 : i32
    %scan3A_15 = arith.addi %scan3A_13, %scan3A_14 : i32
    %scan3A_16 = arith.constant 1 : i32
    scf.for %scan3A_22 = %scan3A_13 to %scan3A_15 step %scan3A_16  : i32 {
      %mul3A_23 = arith.constant 79 : i32
      %mul3A_24 = arith.muli %add3A, %mul3A_23 : i32
      %add3A_25 = arith.addi %mul3A_24, %scan3A_22 : i32
      %mul3A_26 = arith.constant 128 : i32
      %mul3A_27 = arith.muli %add3A_25, %mul3A_26 : i32
      "tpu.region"() ({
        %run_scoped3A = tpu.sem_alloc : memref<!tpu.dma_semaphore, #tpu.memory_space<semaphore_mem>>
        %dma_start3A = tpu.memref_slice %arg2[%mul3A_27] : memref<323584xi32, #tpu.memory_space<hbm>> -> memref<128xi32, #tpu.memory_space<hbm>>
        %dma_start3A_28 = tpu.memref_slice %arg2[%mul3A_27] : memref<323584xi32, #tpu.memory_space<hbm>> -> memref<128xi32, #tpu.memory_space<hbm>>
        tpu.enqueue_dma source(%dma_start3A_28 : memref<128xi32, #tpu.memory_space<hbm>>) target(%arg6 : memref<128xi32, #tpu.memory_space<vmem>>) target_semaphore(%run_scoped3A : memref<!tpu.dma_semaphore, #tpu.memory_space<semaphore_mem>>)
        %dma_wait3A = tpu.memref_slice %arg2[%mul3A_27] : memref<323584xi32, #tpu.memory_space<hbm>> -> memref<128xi32, #tpu.memory_space<hbm>>
        %dma_wait3A_29 = tpu.memref_slice %arg2[%mul3A_27] : memref<323584xi32, #tpu.memory_space<hbm>> -> memref<128xi32, #tpu.memory_space<hbm>>
        tpu.wait_dma2 semaphore(%run_scoped3A : memref<!tpu.dma_semaphore, #tpu.memory_space<semaphore_mem>>) src(%dma_wait3A_29 : memref<128xi32, #tpu.memory_space<hbm>>) dst(%arg6 : memref<128xi32, #tpu.memory_space<vmem>>)
        tpu.yield
      }) : () -> ()
      "tpu.region"() ({
        %run_scoped3A = tpu.sem_alloc : memref<!tpu.dma_semaphore, #tpu.memory_space<semaphore_mem>>
        %dma_start3A = arith.constant 0 : i32
        %dma_start3A_28 = arith.constant 0 : i32
        %dma_start3A_29 = tpu.memref_slice %arg8[%dma_start3A, %dma_start3A_28] : memref<10240x128xf32, #tpu.memory_space<vmem_shared>> -> memref<10240x128xf32, #tpu.memory_space<vmem_shared>>
        tpu.enqueue_indirect_dma source(%arg7 : memref<128x128xf32, #tpu.memory_space<vmem>>) target(%dma_start3A_29 : memref<10240x128xf32, #tpu.memory_space<vmem_shared>>) offsets(%arg6 : memref<128xi32, #tpu.memory_space<vmem>>) semaphore(%run_scoped3A : memref<!tpu.dma_semaphore, #tpu.memory_space<semaphore_mem>>) {add = true}
        %dma_wait3A = arith.constant 0 : i32
        %dma_wait3A_30 = arith.constant 0 : i32
        %dma_wait3A_31 = tpu.memref_slice %arg8[%dma_wait3A, %dma_wait3A_30] : memref<10240x128xf32, #tpu.memory_space<vmem_shared>> -> memref<10240x128xf32, #tpu.memory_space<vmem_shared>>
        tpu.wait_indirect_dma semaphore(%run_scoped3A : memref<!tpu.dma_semaphore, #tpu.memory_space<semaphore_mem>>) src(%arg7 : memref<128x128xf32, #tpu.memory_space<vmem>>) dst(%dma_wait3A_31 : memref<10240x128xf32, #tpu.memory_space<vmem_shared>>)
        tpu.yield
      }) : () -> ()
    }
    %scan3A_17 = arith.constant 79 : i32
    %barrier3A_18 = arith.constant 0 : index
    tpu.barrier barrier_id(%barrier3A_18)
    %mul3A_19 = arith.constant 10240 : i32
    %mul3A_20 = arith.muli %arg0, %mul3A_19 : i32
    %add3A_21 = arith.addi %mul3A_20, %mul3A_2 : i32
    "tpu.region"() ({
      %run_scoped3A = tpu.sem_alloc : memref<!tpu.dma_semaphore, #tpu.memory_space<semaphore_mem>>
      %dma_start3A = arith.constant 0 : i32
      %dma_start3A_22 = tpu.memref_slice %arg5[%add3A_21, %dma_start3A] : memref<20480x128xf32, #tpu.memory_space<hbm>> -> memref<640x128xf32, #tpu.memory_space<hbm>>
      %dma_start3A_23 = arith.constant 0 : i32
      %dma_start3A_24 = tpu.memref_slice %arg8[%mul3A_2, %dma_start3A_23] : memref<10240x128xf32, #tpu.memory_space<vmem_shared>> -> memref<640x128xf32, #tpu.memory_space<vmem_shared>>
      tpu.enqueue_dma source(%dma_start3A_24 : memref<640x128xf32, #tpu.memory_space<vmem_shared>>) target(%dma_start3A_22 : memref<640x128xf32, #tpu.memory_space<hbm>>) target_semaphore(%run_scoped3A : memref<!tpu.dma_semaphore, #tpu.memory_space<semaphore_mem>>)
      %dma_wait3A = arith.constant 0 : i32
      %dma_wait3A_25 = tpu.memref_slice %arg5[%add3A_21, %dma_wait3A] : memref<20480x128xf32, #tpu.memory_space<hbm>> -> memref<640x128xf32, #tpu.memory_space<hbm>>
      %dma_wait3A_26 = arith.constant 0 : i32
      %dma_wait3A_27 = tpu.memref_slice %arg8[%mul3A_2, %dma_wait3A_26] : memref<10240x128xf32, #tpu.memory_space<vmem_shared>> -> memref<640x128xf32, #tpu.memory_space<vmem_shared>>
      tpu.wait_dma2 semaphore(%run_scoped3A : memref<!tpu.dma_semaphore, #tpu.memory_space<semaphore_mem>>) src(%dma_wait3A_27 : memref<640x128xf32, #tpu.memory_space<vmem_shared>>) dst(%dma_wait3A_25 : memref<640x128xf32, #tpu.memory_space<hbm>>)
      tpu.yield
    }) : () -> ()
    return
  }
}

module attributes {stable_mosaic.version = 14 : i64} {
  func.func @body(%arg0: i32, %arg1: memref<2x1000x128xf32, #tpu.memory_space<vmem>>, %arg2: memref<2x1000x128xf32, #tpu.memory_space<vmem>>, %arg3: memref<1000x128xf32, #tpu.memory_space<vmem>>, %arg4: memref<128x128xf32, #tpu.memory_space<vmem>>, %arg5: memref<1x128xf32, #tpu.memory_space<vmem>>, %arg6: memref<128x128xf32, #tpu.memory_space<vmem>>, %arg7: memref<1000x128xf32, #tpu.memory_space<vmem>>) attributes {dimension_semantics = [#tpu.dimension_semantics<arbitrary>], iteration_bounds = array<i64: 10>, scalar_prefetch = 0 : i64, scratch_operands = 0 : i64, tpu.core_type = #tpu.core_type<tc>, window_params = [{transform_indices = @transform_0, window_bounds = array<i64: 2, 1000, 128>}, {transform_indices = @transform_1, window_bounds = array<i64: 2, 1000, 128>}, {transform_indices = @transform_2, window_bounds = array<i64: 1000, 128>}, {pipeline_mode = #tpu.pipeline_mode<synchronous>, transform_indices = @transform_3, window_bounds = array<i64: 128, 128>}, {pipeline_mode = #tpu.pipeline_mode<synchronous>, transform_indices = @transform_4, window_bounds = array<i64: 1, 128>}, {pipeline_mode = #tpu.pipeline_mode<synchronous>, transform_indices = @transform_5, window_bounds = array<i64: 128, 128>}, {transform_indices = @transform_6, window_bounds = array<i64: 1000, 128>}]} {
    %get3A = arith.constant 0 : index
    %get3A_0 = arith.constant 0 : index
    %get3A_1 = arith.constant 0 : index
    %get3A_2 = vector.load %arg2[%get3A, %get3A_0, %get3A_1] : memref<2x1000x128xf32, #tpu.memory_space<vmem>>, vector<1x1000x1xf32>
    %get3A_3 = vector.shape_cast %get3A_2 : vector<1x1000x1xf32> to vector<1000x1xf32>
    %get3A_4 = arith.constant 1 : index
    %get3A_5 = arith.constant 0 : index
    %get3A_6 = arith.constant 0 : index
    %get3A_7 = vector.load %arg2[%get3A_4, %get3A_5, %get3A_6] : memref<2x1000x128xf32, #tpu.memory_space<vmem>>, vector<1x1000x1xf32>
    %get3A_8 = vector.shape_cast %get3A_7 : vector<1x1000x1xf32> to vector<1000x1xf32>
    %add3A = arith.addf %get3A_3, %get3A_8 : vector<1000x1xf32>
    %get3A_9 = arith.constant 0 : index
    %get3A_10 = arith.constant 0 : index
    %get3A_11 = arith.constant 0 : index
    %get3A_12 = vector.load %arg1[%get3A_9, %get3A_10, %get3A_11] : memref<2x1000x128xf32, #tpu.memory_space<vmem>>, vector<1x1000x128xf32>
    %get3A_13 = vector.shape_cast %get3A_12 : vector<1x1000x128xf32> to vector<1000x128xf32>
    %get3A_14 = arith.constant 1 : index
    %get3A_15 = arith.constant 0 : index
    %get3A_16 = arith.constant 0 : index
    %get3A_17 = vector.load %arg1[%get3A_14, %get3A_15, %get3A_16] : memref<2x1000x128xf32, #tpu.memory_space<vmem>>, vector<1x1000x128xf32>
    %get3A_18 = vector.shape_cast %get3A_17 : vector<1x1000x128xf32> to vector<1000x128xf32>
    %add3A_19 = arith.addf %get3A_13, %get3A_18 : vector<1000x128xf32>
    %max3A = arith.constant 1.000000e+00 : f32
    %max3A_20 = vector.broadcast %max3A : f32 to vector<1000x1xf32>
    %max3A_21 = arith.maximumf %add3A, %max3A_20 : vector<1000x1xf32>
    %div3A = vector.broadcast %max3A_21 : vector<1000x1xf32> to vector<1000x128xf32>
    %div3A_22 = arith.divf %add3A_19, %div3A : vector<1000x128xf32>
    %get3A_23 = arith.constant 0 : index
    %get3A_24 = arith.constant 0 : index
    %get3A_25 = vector.load %arg4[%get3A_23, %get3A_24] : memref<128x128xf32, #tpu.memory_space<vmem>>, vector<128x128xf32>
    %dot_general3A = arith.constant dense<0.000000e+00> : vector<1000x128xf32>
    %dot_general3A_26 = tpu.matmul %div3A_22, %get3A_25, %dot_general3A {dimension_numbers = #tpu.dot_dimension_numbers<[1], [0], [0], [1], [0, 0, 1, 1], [], []>, transpose_lhs_hint = false} : vector<1000x128xf32>, vector<128x128xf32>, vector<1000x128xf32> -> vector<1000x128xf32>
    %get3A_27 = arith.constant 0 : index
    %get3A_28 = arith.constant 0 : index
    %get3A_29 = vector.load %arg3[%get3A_27, %get3A_28] : memref<1000x128xf32, #tpu.memory_space<vmem>>, vector<1000x128xf32>
    %get3A_30 = arith.constant 0 : index
    %get3A_31 = arith.constant 0 : index
    %get3A_32 = vector.load %arg6[%get3A_30, %get3A_31] : memref<128x128xf32, #tpu.memory_space<vmem>>, vector<128x128xf32>
    %dot_general3A_33 = arith.constant dense<0.000000e+00> : vector<1000x128xf32>
    %dot_general3A_34 = tpu.matmul %get3A_29, %get3A_32, %dot_general3A_33 {dimension_numbers = #tpu.dot_dimension_numbers<[1], [0], [0], [1], [0, 0, 1, 1], [], []>, transpose_lhs_hint = false} : vector<1000x128xf32>, vector<128x128xf32>, vector<1000x128xf32> -> vector<1000x128xf32>
    %add3A_35 = arith.addf %dot_general3A_26, %dot_general3A_34 : vector<1000x128xf32>
    %get3A_36 = arith.constant 0 : index
    %get3A_37 = arith.constant 0 : index
    %get3A_38 = vector.load %arg5[%get3A_36, %get3A_37] : memref<1x128xf32, #tpu.memory_space<vmem>>, vector<1x128xf32>
    %add3A_39 = vector.broadcast %get3A_38 : vector<1x128xf32> to vector<1000x128xf32>
    %add3A_40 = arith.addf %add3A_35, %add3A_39 : vector<1000x128xf32>
    %max3A_41 = arith.constant 0.000000e+00 : f32
    %max3A_42 = vector.broadcast %max3A_41 : f32 to vector<1000x128xf32>
    %max3A_43 = arith.maximumf %add3A_40, %max3A_42 : vector<1000x128xf32>
    %swap3A = arith.constant 0 : index
    %swap3A_44 = arith.constant 0 : index
    %swap3A_45 = vector.load %arg7[%swap3A, %swap3A_44] : memref<1000x128xf32, #tpu.memory_space<vmem>>, vector<1000x128xf32>
    tpu.vector_store %arg7[%swap3A, %swap3A_44], %max3A_43 {strides = array<i32>} : memref<1000x128xf32, #tpu.memory_space<vmem>>, vector<1000x128xf32>,
    return
  }
  func.func @transform_0(%arg0: i32) -> (i32, i32, i32) {
    %c0_i32 = arith.constant 0 : i32
    %c0_i32_0 = arith.constant 0 : i32
    %c0_i32_1 = arith.constant 0 : i32
    return %c0_i32, %arg0, %c0_i32_0 : i32, i32, i32
  }
  func.func @transform_1(%arg0: i32) -> (i32, i32, i32) {
    %c0_i32 = arith.constant 0 : i32
    %c0_i32_0 = arith.constant 0 : i32
    %c0_i32_1 = arith.constant 0 : i32
    return %c0_i32, %arg0, %c0_i32_0 : i32, i32, i32
  }
  func.func @transform_2(%arg0: i32) -> (i32, i32) {
    %c0_i32 = arith.constant 0 : i32
    %c0_i32_0 = arith.constant 0 : i32
    return %arg0, %c0_i32 : i32, i32
  }
  func.func @transform_3(%arg0: i32) -> (i32, i32) {
    %c0_i32 = arith.constant 0 : i32
    %c0_i32_0 = arith.constant 0 : i32
    %c0_i32_1 = arith.constant 0 : i32
    return %c0_i32, %c0_i32_0 : i32, i32
  }
  func.func @transform_4(%arg0: i32) -> (i32, i32) {
    %c0_i32 = arith.constant 0 : i32
    %c0_i32_0 = arith.constant 0 : i32
    %c0_i32_1 = arith.constant 0 : i32
    return %c0_i32, %c0_i32_0 : i32, i32
  }
  func.func @transform_5(%arg0: i32) -> (i32, i32) {
    %c0_i32 = arith.constant 0 : i32
    %c0_i32_0 = arith.constant 0 : i32
    %c0_i32_1 = arith.constant 0 : i32
    return %c0_i32, %c0_i32_0 : i32, i32
  }
  func.func @transform_6(%arg0: i32) -> (i32, i32) {
    %c0_i32 = arith.constant 0 : i32
    %c0_i32_0 = arith.constant 0 : i32
    return %arg0, %c0_i32 : i32, i32
  }
}

module attributes {stable_mosaic.version = 14 : i64} {
  func.func @body(%arg0: i32, %arg1: memref<2x1000x128xf32, #tpu.memory_space<vmem>>, %arg2: memref<2x1000x128xf32, #tpu.memory_space<vmem>>, %arg3: memref<1000x128xf32, #tpu.memory_space<vmem>>, %arg4: memref<128x128xf32, #tpu.memory_space<vmem>>, %arg5: memref<1x128xf32, #tpu.memory_space<vmem>>, %arg6: memref<128x128xf32, #tpu.memory_space<vmem>>, %arg7: memref<1000x128xf32, #tpu.memory_space<vmem>>) attributes {dimension_semantics = [#tpu.dimension_semantics<arbitrary>], iteration_bounds = array<i64: 10>, scalar_prefetch = 0 : i64, scratch_operands = 0 : i64, tpu.core_type = #tpu.core_type<tc>, window_params = [{transform_indices = @transform_0, window_bounds = array<i64: 2, 1000, 128>}, {transform_indices = @transform_1, window_bounds = array<i64: 2, 1000, 128>}, {transform_indices = @transform_2, window_bounds = array<i64: 1000, 128>}, {pipeline_mode = #tpu.pipeline_mode<synchronous>, transform_indices = @transform_3, window_bounds = array<i64: 128, 128>}, {pipeline_mode = #tpu.pipeline_mode<synchronous>, transform_indices = @transform_4, window_bounds = array<i64: 1, 128>}, {pipeline_mode = #tpu.pipeline_mode<synchronous>, transform_indices = @transform_5, window_bounds = array<i64: 128, 128>}, {transform_indices = @transform_6, window_bounds = array<i64: 1000, 128>}]} {
    %get3A = arith.constant 0 : index
    %get3A_0 = arith.constant 0 : index
    %get3A_1 = arith.constant 0 : index
    %get3A_2 = vector.load %arg2[%get3A, %get3A_0, %get3A_1] : memref<2x1000x128xf32, #tpu.memory_space<vmem>>, vector<1x1000x1xf32>
    %get3A_3 = vector.shape_cast %get3A_2 : vector<1x1000x1xf32> to vector<1000x1xf32>
    %get3A_4 = arith.constant 1 : index
    %get3A_5 = arith.constant 0 : index
    %get3A_6 = arith.constant 0 : index
    %get3A_7 = vector.load %arg2[%get3A_4, %get3A_5, %get3A_6] : memref<2x1000x128xf32, #tpu.memory_space<vmem>>, vector<1x1000x1xf32>
    %get3A_8 = vector.shape_cast %get3A_7 : vector<1x1000x1xf32> to vector<1000x1xf32>
    %add3A = arith.addf %get3A_3, %get3A_8 : vector<1000x1xf32>
    %get3A_9 = arith.constant 0 : index
    %get3A_10 = arith.constant 0 : index
    %get3A_11 = arith.constant 0 : index
    %get3A_12 = vector.load %arg1[%get3A_9, %get3A_10, %get3A_11] : memref<2x1000x128xf32, #tpu.memory_space<vmem>>, vector<1x1000x128xf32>
    %get3A_13 = vector.shape_cast %get3A_12 : vector<1x1000x128xf32> to vector<1000x128xf32>
    %get3A_14 = arith.constant 1 : index
    %get3A_15 = arith.constant 0 : index
    %get3A_16 = arith.constant 0 : index
    %get3A_17 = vector.load %arg1[%get3A_14, %get3A_15, %get3A_16] : memref<2x1000x128xf32, #tpu.memory_space<vmem>>, vector<1x1000x128xf32>
    %get3A_18 = vector.shape_cast %get3A_17 : vector<1x1000x128xf32> to vector<1000x128xf32>
    %add3A_19 = arith.addf %get3A_13, %get3A_18 : vector<1000x128xf32>
    %max3A = arith.constant 1.000000e+00 : f32
    %max3A_20 = vector.broadcast %max3A : f32 to vector<1000x1xf32>
    %max3A_21 = arith.maximumf %add3A, %max3A_20 : vector<1000x1xf32>
    %div3A = vector.broadcast %max3A_21 : vector<1000x1xf32> to vector<1000x128xf32>
    %div3A_22 = arith.divf %add3A_19, %div3A : vector<1000x128xf32>
    %get3A_23 = arith.constant 0 : index
    %get3A_24 = arith.constant 0 : index
    %get3A_25 = vector.load %arg4[%get3A_23, %get3A_24] : memref<128x128xf32, #tpu.memory_space<vmem>>, vector<128x128xf32>
    %dot_general3A = arith.constant dense<0.000000e+00> : vector<1000x128xf32>
    %dot_general3A_26 = tpu.matmul %div3A_22, %get3A_25, %dot_general3A {dimension_numbers = #tpu.dot_dimension_numbers<[1], [0], [0], [1], [0, 0, 1, 1], [], []>, transpose_lhs_hint = false} : vector<1000x128xf32>, vector<128x128xf32>, vector<1000x128xf32> -> vector<1000x128xf32>
    %get3A_27 = arith.constant 0 : index
    %get3A_28 = arith.constant 0 : index
    %get3A_29 = vector.load %arg3[%get3A_27, %get3A_28] : memref<1000x128xf32, #tpu.memory_space<vmem>>, vector<1000x128xf32>
    %get3A_30 = arith.constant 0 : index
    %get3A_31 = arith.constant 0 : index
    %get3A_32 = vector.load %arg6[%get3A_30, %get3A_31] : memref<128x128xf32, #tpu.memory_space<vmem>>, vector<128x128xf32>
    %dot_general3A_33 = arith.constant dense<0.000000e+00> : vector<1000x128xf32>
    %dot_general3A_34 = tpu.matmul %get3A_29, %get3A_32, %dot_general3A_33 {dimension_numbers = #tpu.dot_dimension_numbers<[1], [0], [0], [1], [0, 0, 1, 1], [], []>, transpose_lhs_hint = false} : vector<1000x128xf32>, vector<128x128xf32>, vector<1000x128xf32> -> vector<1000x128xf32>
    %add3A_35 = arith.addf %dot_general3A_26, %dot_general3A_34 : vector<1000x128xf32>
    %get3A_36 = arith.constant 0 : index
    %get3A_37 = arith.constant 0 : index
    %get3A_38 = vector.load %arg5[%get3A_36, %get3A_37] : memref<1x128xf32, #tpu.memory_space<vmem>>, vector<1x128xf32>
    %add3A_39 = vector.broadcast %get3A_38 : vector<1x128xf32> to vector<1000x128xf32>
    %add3A_40 = arith.addf %add3A_35, %add3A_39 : vector<1000x128xf32>
    %swap3A = arith.constant 0 : index
    %swap3A_41 = arith.constant 0 : index
    %swap3A_42 = vector.load %arg7[%swap3A, %swap3A_41] : memref<1000x128xf32, #tpu.memory_space<vmem>>, vector<1000x128xf32>
    tpu.vector_store %arg7[%swap3A, %swap3A_41], %add3A_40 {strides = array<i32>} : memref<1000x128xf32, #tpu.memory_space<vmem>>, vector<1000x128xf32>,
    return
  }
  func.func @transform_0(%arg0: i32) -> (i32, i32, i32) {
    %c0_i32 = arith.constant 0 : i32
    %c0_i32_0 = arith.constant 0 : i32
    %c0_i32_1 = arith.constant 0 : i32
    return %c0_i32, %arg0, %c0_i32_0 : i32, i32, i32
  }
  func.func @transform_1(%arg0: i32) -> (i32, i32, i32) {
    %c0_i32 = arith.constant 0 : i32
    %c0_i32_0 = arith.constant 0 : i32
    %c0_i32_1 = arith.constant 0 : i32
    return %c0_i32, %arg0, %c0_i32_0 : i32, i32, i32
  }
  func.func @transform_2(%arg0: i32) -> (i32, i32) {
    %c0_i32 = arith.constant 0 : i32
    %c0_i32_0 = arith.constant 0 : i32
    return %arg0, %c0_i32 : i32, i32
  }
  func.func @transform_3(%arg0: i32) -> (i32, i32) {
    %c0_i32 = arith.constant 0 : i32
    %c0_i32_0 = arith.constant 0 : i32
    %c0_i32_1 = arith.constant 0 : i32
    return %c0_i32, %c0_i32_0 : i32, i32
  }
  func.func @transform_4(%arg0: i32) -> (i32, i32) {
    %c0_i32 = arith.constant 0 : i32
    %c0_i32_0 = arith.constant 0 : i32
    %c0_i32_1 = arith.constant 0 : i32
    return %c0_i32, %c0_i32_0 : i32, i32
  }
  func.func @transform_5(%arg0: i32) -> (i32, i32) {
    %c0_i32 = arith.constant 0 : i32
    %c0_i32_0 = arith.constant 0 : i32
    %c0_i32_1 = arith.constant 0 : i32
    return %c0_i32, %c0_i32_0 : i32, i32
  }
  func.func @transform_6(%arg0: i32) -> (i32, i32) {
    %c0_i32 = arith.constant 0 : i32
    %c0_i32_0 = arith.constant 0 : i32
    return %arg0, %c0_i32 : i32, i32
  }
}

module attributes {stable_mosaic.version = 14 : i64} {
  func.func @body(%arg0: i32, %arg1: memref<1000x128xf32, #tpu.memory_space<vmem>>, %arg2: memref<1x1x1000xi32, #tpu.memory_space<vmem>>, %arg3: memref<128x10xf32, #tpu.memory_space<vmem>>, %arg4: memref<1x10xf32, #tpu.memory_space<vmem>>, %arg5: memref<128x10xf32, #tpu.memory_space<vmem>>, %arg6: memref<128x128xf32, #tpu.memory_space<vmem>>, %arg7: memref<128x1xf32, #tpu.memory_space<vmem>>) attributes {dimension_semantics = [#tpu.dimension_semantics<arbitrary>], iteration_bounds = array<i64: 10>, scalar_prefetch = 0 : i64, scratch_operands = 2 : i64, tpu.core_type = #tpu.core_type<tc>, window_params = [{transform_indices = @transform_0, window_bounds = array<i64: 1000, 128>}, {transform_indices = @transform_1, window_bounds = array<i64: 1, 1, 1000>}, {pipeline_mode = #tpu.pipeline_mode<synchronous>, transform_indices = @transform_2, window_bounds = array<i64: 128, 10>}, {pipeline_mode = #tpu.pipeline_mode<synchronous>, transform_indices = @transform_3, window_bounds = array<i64: 1, 10>}, {pipeline_mode = #tpu.pipeline_mode<synchronous>, transform_indices = @transform_4, window_bounds = array<i64: 128, 10>}]} {
    %eq3A = arith.constant 0 : i32
    %eq3A_0 = arith.cmpi eq, %arg0, %eq3A : i32
    %convert_element_type3A = arith.extui %eq3A_0 : i1 to i32
    %cond3A = arith.constant 0 : i32
    %cond3A_1 = arith.cmpi ne, %convert_element_type3A, %cond3A : i32
    scf.if %cond3A_1 {
      %broadcast_in_dim3A_35 = arith.constant 0.000000e+00 : f32
      %broadcast_in_dim3A_36 = vector.broadcast %broadcast_in_dim3A_35 : f32 to vector<128x128xf32>
      %swap3A_37 = arith.constant 0 : index
      %swap3A_38 = arith.constant 0 : index
      %swap3A_39 = vector.load %arg6[%swap3A_37, %swap3A_38] : memref<128x128xf32, #tpu.memory_space<vmem>>, vector<128x128xf32>
      tpu.vector_store %arg6[%swap3A_37, %swap3A_38], %broadcast_in_dim3A_36 {strides = array<i32>} : memref<128x128xf32, #tpu.memory_space<vmem>>, vector<128x128xf32>,
      %broadcast_in_dim3A_40 = arith.constant 0.000000e+00 : f32
      %broadcast_in_dim3A_41 = vector.broadcast %broadcast_in_dim3A_40 : f32 to vector<128x1xf32>
      %swap3A_42 = arith.constant 0 : index
      %swap3A_43 = arith.constant 0 : index
      %swap3A_44 = vector.load %arg7[%swap3A_42, %swap3A_43] : memref<128x1xf32, #tpu.memory_space<vmem>>, vector<128x1xf32>
      tpu.vector_store %arg7[%swap3A_42, %swap3A_43], %broadcast_in_dim3A_41 {strides = array<i32>} : memref<128x1xf32, #tpu.memory_space<vmem>>, vector<128x1xf32>,
    } else {
    }
    %get3A = arith.constant 0 : index
    %get3A_2 = arith.constant 0 : index
    %get3A_3 = arith.constant 0 : index
    %get3A_4 = vector.load %arg2[%get3A, %get3A_2, %get3A_3] : memref<1x1x1000xi32, #tpu.memory_space<vmem>>, vector<1x1x1000xi32>
    %get3A_5 = vector.shape_cast %get3A_4 : vector<1x1x1000xi32> to vector<1000xi32>
    %broadcast_in_dim3A = vector.shape_cast %get3A_5 : vector<1000xi32> to vector<1000x1xi32>
    %iota3A = tpu.iota {dimensions = array<i32: 1>} : vector<1000x128xi32>
    %eq3A_6 = vector.broadcast %broadcast_in_dim3A : vector<1000x1xi32> to vector<1000x128xi32>
    %eq3A_7 = arith.cmpi eq, %eq3A_6, %iota3A : vector<1000x128xi32>
    %convert_element_type3A_8 = arith.extui %eq3A_7 : vector<1000x128xi1> to vector<1000x128xi32>
    %convert_element_type3A_9 = arith.sitofp %convert_element_type3A_8 : vector<1000x128xi32> to vector<1000x128xf32>
    %get3A_10 = arith.constant 0 : index
    %get3A_11 = arith.constant 0 : index
    %get3A_12 = vector.load %arg6[%get3A_10, %get3A_11] : memref<128x128xf32, #tpu.memory_space<vmem>>, vector<128x128xf32>
    %get3A_13 = arith.constant 0 : index
    %get3A_14 = arith.constant 0 : index
    %get3A_15 = vector.load %arg1[%get3A_13, %get3A_14] : memref<1000x128xf32, #tpu.memory_space<vmem>>, vector<1000x128xf32>
    %dot_general3A = arith.constant dense<0.000000e+00> : vector<128x128xf32>
    %dot_general3A_16 = tpu.matmul %convert_element_type3A_9, %get3A_15, %dot_general3A {dimension_numbers = #tpu.dot_dimension_numbers<[0], [0], [1], [1], [0, 1, 1, 1], [], []>, transpose_lhs_hint = false} : vector<1000x128xf32>, vector<1000x128xf32>, vector<128x128xf32> -> vector<128x128xf32>
    %add3A = arith.addf %get3A_12, %dot_general3A_16 : vector<128x128xf32>
    %swap3A = arith.constant 0 : index
    %swap3A_17 = arith.constant 0 : index
    %swap3A_18 = vector.load %arg6[%swap3A, %swap3A_17] : memref<128x128xf32, #tpu.memory_space<vmem>>, vector<128x128xf32>
    tpu.vector_store %arg6[%swap3A, %swap3A_17], %add3A {strides = array<i32>} : memref<128x128xf32, #tpu.memory_space<vmem>>, vector<128x128xf32>,
    %get3A_19 = arith.constant 0 : index
    %get3A_20 = arith.constant 0 : index
    %get3A_21 = vector.load %arg7[%get3A_19, %get3A_20] : memref<128x1xf32, #tpu.memory_space<vmem>>, vector<128x1xf32>
    %broadcast_in_dim3A_22 = arith.constant 1.000000e+00 : f32
    %broadcast_in_dim3A_23 = vector.broadcast %broadcast_in_dim3A_22 : f32 to vector<1000x1xf32>
    %dot_general3A_24 = arith.constant dense<0.000000e+00> : vector<128x1xf32>
    %dot_general3A_25 = tpu.matmul %convert_element_type3A_9, %broadcast_in_dim3A_23, %dot_general3A_24 {dimension_numbers = #tpu.dot_dimension_numbers<[0], [0], [1], [1], [0, 1, 1, 1], [], []>, transpose_lhs_hint = false} : vector<1000x128xf32>, vector<1000x1xf32>, vector<128x1xf32> -> vector<128x1xf32>
    %add3A_26 = arith.addf %get3A_21, %dot_general3A_25 : vector<128x1xf32>
    %swap3A_27 = arith.constant 0 : index
    %swap3A_28 = arith.constant 0 : index
    %swap3A_29 = vector.load %arg7[%swap3A_27, %swap3A_28] : memref<128x1xf32, #tpu.memory_space<vmem>>, vector<128x1xf32>
    tpu.vector_store %arg7[%swap3A_27, %swap3A_28], %add3A_26 {strides = array<i32>} : memref<128x1xf32, #tpu.memory_space<vmem>>, vector<128x1xf32>,
    %eq3A_30 = arith.constant 9 : i32
    %eq3A_31 = arith.cmpi eq, %arg0, %eq3A_30 : i32
    %convert_element_type3A_32 = arith.extui %eq3A_31 : i1 to i32
    %cond3A_33 = arith.constant 0 : i32
    %cond3A_34 = arith.cmpi ne, %convert_element_type3A_32, %cond3A_33 : i32
    scf.if %cond3A_34 {
      %get3A_35 = arith.constant 0 : index
      %get3A_36 = arith.constant 0 : index
      %get3A_37 = vector.load %arg6[%get3A_35, %get3A_36] : memref<128x128xf32, #tpu.memory_space<vmem>>, vector<128x128xf32>
      %get3A_38 = arith.constant 0 : index
      %get3A_39 = arith.constant 0 : index
      %get3A_40 = vector.load %arg7[%get3A_38, %get3A_39] : memref<128x1xf32, #tpu.memory_space<vmem>>, vector<128x1xf32>
      %max3A = arith.constant 1.000000e+00 : f32
      %max3A_41 = vector.broadcast %max3A : f32 to vector<128x1xf32>
      %max3A_42 = arith.maximumf %get3A_40, %max3A_41 : vector<128x1xf32>
      %div3A = vector.broadcast %max3A_42 : vector<128x1xf32> to vector<128x128xf32>
      %div3A_43 = arith.divf %get3A_37, %div3A : vector<128x128xf32>
      %get3A_44 = arith.constant 0 : index
      %get3A_45 = arith.constant 0 : index
      %get3A_46 = vector.load %arg3[%get3A_44, %get3A_45] : memref<128x10xf32, #tpu.memory_space<vmem>>, vector<128x10xf32>
      %dot_general3A_47 = arith.constant dense<0.000000e+00> : vector<128x10xf32>
      %dot_general3A_48 = tpu.matmul %div3A_43, %get3A_46, %dot_general3A_47 {dimension_numbers = #tpu.dot_dimension_numbers<[1], [0], [0], [1], [0, 0, 1, 1], [], []>, transpose_lhs_hint = false} : vector<128x128xf32>, vector<128x10xf32>, vector<128x10xf32> -> vector<128x10xf32>
      %get3A_49 = arith.constant 0 : index
      %get3A_50 = arith.constant 0 : index
      %get3A_51 = vector.load %arg4[%get3A_49, %get3A_50] : memref<1x10xf32, #tpu.memory_space<vmem>>, vector<1x10xf32>
      %add3A_52 = vector.broadcast %get3A_51 : vector<1x10xf32> to vector<128x10xf32>
      %add3A_53 = arith.addf %dot_general3A_48, %add3A_52 : vector<128x10xf32>
      %swap3A_54 = arith.constant 0 : index
      %swap3A_55 = arith.constant 0 : index
      %swap3A_56 = vector.load %arg5[%swap3A_54, %swap3A_55] : memref<128x10xf32, #tpu.memory_space<vmem>>, vector<128x10xf32>
      tpu.vector_store %arg5[%swap3A_54, %swap3A_55], %add3A_53 {strides = array<i32>} : memref<128x10xf32, #tpu.memory_space<vmem>>, vector<128x10xf32>,
    } else {
    }
    return
  }
  func.func @transform_0(%arg0: i32) -> (i32, i32) {
    %c0_i32 = arith.constant 0 : i32
    %c0_i32_0 = arith.constant 0 : i32
    return %arg0, %c0_i32 : i32, i32
  }
  func.func @transform_1(%arg0: i32) -> (i32, i32, i32) {
    %c0_i32 = arith.constant 0 : i32
    %c0_i32_0 = arith.constant 0 : i32
    %c0_i32_1 = arith.constant 0 : i32
    return %arg0, %c0_i32, %c0_i32_0 : i32, i32, i32
  }
  func.func @transform_2(%arg0: i32) -> (i32, i32) {
    %c0_i32 = arith.constant 0 : i32
    %c0_i32_0 = arith.constant 0 : i32
    %c0_i32_1 = arith.constant 0 : i32
    return %c0_i32, %c0_i32_0 : i32, i32
  }
  func.func @transform_3(%arg0: i32) -> (i32, i32) {
    %c0_i32 = arith.constant 0 : i32
    %c0_i32_0 = arith.constant 0 : i32
    %c0_i32_1 = arith.constant 0 : i32
    return %c0_i32, %c0_i32_0 : i32, i32
  }
  func.func @transform_4(%arg0: i32) -> (i32, i32) {
    %c0_i32 = arith.constant 0 : i32
    %c0_i32_0 = arith.constant 0 : i32
    %c0_i32_1 = arith.constant 0 : i32
    return %c0_i32, %c0_i32_0 : i32, i32
  }
}

</mosaic_0001>

<sc_bundles>
// kernel: kernel.10.cloned.1.call-start
scs
__scs_entry_jumppad:
0x0: {  	(pc) =	sbr.rel $0x88, $3  }
0x1: {  	(tag) =	ssettag $0x0;
	lr =	simm.s32 $0x1  }
0x2: {  	[smem:$0x3F93] =	sst lr;
	_ =	strace $0xD0000000  }
0x3: {  	_ = 	snop  }
0x4: {  	_ = 	snop  }
0x5: {  	_ = 	snop  }
0x6: {  	_ = 	snop  }
0x7: {  	_ = 	snop  }
__scs_overlays_trampoline_lowered:
0x8: {  	[smem:$0x3FA2] =	sst s0  }
0x9: {  	[smem:$0x3FA3] =	sst s1  }
0xa: {  	[smem:$0x3FA4] =	sst s2  }
0xb: {  	[smem:$0x3FA5] =	sst s3  }
0xc: {  	[smem:$0x3FA6] =	sst s4  }
0xd: {  	[smem:$0x3FA7] =	sst s5  }
0xe: {  	[smem:$0x3FA8] =	sst s6  }
0xf: {  	[smem:$0x3FA9] =	sst s7  }
0x10: {  	[smem:$0x3FAA] =	sst s8  }
0x11: {  	[smem:$0x3FAB] =	sst s9;
	s0 =	simm.s32 @!p0 $0x0  }
0x12: {  	s1 =	sld [smem:$0x3F91];
	s0 =	simm.s32 @p0 $0x1  }
0x13: {  	[smem:$0x3FAC] =	sst s0;
	s0 =	simm.s32 @!p1 $0x0  }
0x14: {  	s2 =	sld [smem:$0x3F90];
	s0 =	simm.s32 @p1 $0x1  }
0x15: {  	[smem:$0x3FAD] =	sst s0;
	s0 =	simm.s32 @!p2 $0x0  }
0x16: {  	s3 =	sld [smem:$0x3FDB];
	s0 =	simm.s32 @p2 $0x1  }
0x17: {  	s4 =	simm.s32 $0x1BF5;
	[smem:$0x3FAF] =	sst s0  }
0x18: {  	s0 =	sld [smem:$0x3F92];
	_ =	swait.ge [sflag:s4], $0x0  }
0x19: {  	s7 =	sld [smem:$0x3F93]  }
0x1a: {  	s8 =	sadd.s32 $0xFFFFE003, lr  }
0x1b: {  	s9 =	sadd.s32 $0xFFFFFEF7, lr;
	s5 =	simm.s32 $0xFFFFFFFF;
	p2 =	slt.u32 s8, $0xFFFFF086  }
0x1c: {  	p1 =	slt.u32 s9, $0xF7A;
	s5 =	simm.s32 @!p2 $0x0  }
0x1d: {  	s5 =	simm.s32 @p1 $0x1;
	p0 =	seq.s32 s7, s2  }
0x1e: {  	s7 =	smul.u32 @!p0 $0xF7A, s2;
	p2 =	seq.s32 @!p0 s5, $0x0  }
0x1f: {  	s9 =	smul.u32 $0xF7A, s1;
	s8 =	simm.s32 @!p0 $0x1BF5;
	p2 =	por !p2, p0  }
0x20: {  	[sflag:s8] =	ssyncset.s32 @!p0 $0xFFFFF086;
	s6 =	sadd.s32 @!p0 s3, s7;
	s7 =	simm.s32 @!p0 $0x108  }
0x21: {  	s3 =	sadd.s32 s3, s9;
	s6 =	sadd.s32 @!p0 $0x88, s6;
	s7 =	simm.s32 @p2 $0x1082  }
0x22: {  	[simem:s7], [sflag:s8] =	dma.local @!p0 [hbm:s6], $0xF7A  }
0x23: {  	s9 =	sor.u32 $0xD0000000, s2;
	s6 =	simm.s32 $0x108;
	_ =	swait.ge @!p0 [sflag:s8], $0x0  }
0x24: {  	s3 =	sadd.s32 $0x88, s3;
	s6 =	simm.s32 @!p1 $0x1082;
	[sflag:s4] =	ssyncset.s32 $0xFFFFF086  }
0x25: {  	[simem:s6], [sflag:s4] =	dma.local [hbm:s3], $0xF7A  }
0x26: {  	[smem:$0x3F93] =	sst s1;
	(tag) =	ssettag s2;
	_ =	strace s9  }
0x27: {  	s1 =	sld [smem:$0x3FA3]  }
0x28: {  	s2 =	sld [smem:$0x3FA4]  }
0x29: {  	s4 =	sld [smem:$0x3FA6]  }
0x2a: {  	p0 =	seq.s32 s5, $0x0;
	s5 =	sld [smem:$0x3FA7]  }
0x2b: {  	s6 =	sld [smem:$0x3FA8]  }
0x2c: {  	s7 =	sld [smem:$0x3FA9]  }
0x2d: {  	s3 =	simm.s32 $0x108;
	s8 =	sld [smem:$0x3FAA]  }
0x2e: {  	s3 =	simm.s32 @!p0 $0x1082;
	s9 =	sld [smem:$0x3FAB]  }
0x2f: {  	lr =	sadd.s32 s0, s3;
	s0 =	sld [smem:$0x3FA2]  }
0x30: {  	s3 =	sld [smem:$0x3FA5]  }
0x31: {  	[smem:$0x3FAE] =	sst s10  }
0x32: {  	s10 =	sld [smem:$0x3FAC];
	_ =	sdelay $0x3  }
0x33: {  	p0 =	seq.s32 s10, $0x1;
	s10 =	sld [smem:$0x3FAE];
	_ =	sdelay $0x3  }
0x34: {  	[smem:$0x3FAE] =	sst s10  }
0x35: {  	s10 =	sld [smem:$0x3FAD];
	_ =	sdelay $0x3  }
0x36: {  	p1 =	seq.s32 s10, $0x1;
	s10 =	sld [smem:$0x3FAE];
	_ =	sdelay $0x3  }
0x37: {  	[smem:$0x3FAE] =	sst s10  }
0x38: {  	s10 =	sld [smem:$0x3FAF]  }
0x39: {  	_ = 	snop;
	(pc) =	sbr.ind lr, $3  }
0x3a: {  	_ = 	snop  }
0x3b: {  	_ = 	snop  }
0x3c: {  	p2 =	seq.s32 s10, $0x1;
	s10 =	sld [smem:$0x3FAE]  }
0x3d: {  	_ =	shalt  }
0x3e: {  	_ =	shalt  }
0x3f: {  	_ =	shalt  }
0x40: {  	_ =	shalt  }
0x41: {  	_ =	shalt  }
0x42: {  	_ =	shalt  }
0x43: {  	_ =	shalt  }
0x44: {  	_ =	shalt  }
0x45: {  	_ =	shalt  }
0x46: {  	_ =	shalt  }
0x47: {  	_ =	shalt  }
0x48: {  	_ =	shalt  }
0x49: {  	_ =	shalt  }
0x4a: {  	_ =	shalt  }
0x4b: {  	_ =	shalt  }
0x4c: {  	_ =	shalt  }
0x4d: {  	_ =	shalt  }
0x4e: {  	_ =	shalt  }
0x4f: {  	_ =	shalt  }
0x50: {  	_ =	shalt  }
0x51: {  	_ =	shalt  }
0x52: {  	_ =	shalt  }
0x53: {  	_ =	shalt  }
0x54: {  	_ =	shalt  }
0x55: {  	_ =	shalt  }
0x56: {  	_ =	shalt  }
0x57: {  	_ =	shalt  }
0x58: {  	_ =	shalt  }
0x59: {  	_ =	shalt  }
0x5a: {  	_ =	shalt  }
0x5b: {  	_ =	shalt  }
0x5c: {  	_ =	shalt  }
0x5d: {  	_ =	shalt  }
0x5e: {  	_ =	shalt  }
0x5f: {  	_ =	shalt  }
0x60: {  	_ =	shalt  }
0x61: {  	_ =	shalt  }
0x62: {  	_ =	shalt  }
0x63: {  	_ =	shalt  }
0x64: {  	_ =	shalt  }
0x65: {  	_ =	shalt  }
0x66: {  	_ =	shalt  }
0x67: {  	_ =	shalt  }
0x68: {  	_ =	shalt  }
0x69: {  	_ =	shalt  }
0x6a: {  	_ =	shalt  }
0x6b: {  	_ =	shalt  }
0x6c: {  	_ =	shalt  }
0x6d: {  	_ =	shalt  }
0x6e: {  	_ =	shalt  }
0x6f: {  	_ =	shalt  }
0x70: {  	_ =	shalt  }
0x71: {  	_ =	shalt  }
0x72: {  	_ =	shalt  }
0x73: {  	_ =	shalt  }
0x74: {  	_ =	shalt  }
0x75: {  	_ =	shalt  }
0x76: {  	_ =	shalt  }
0x77: {  	_ =	shalt  }
0x78: {  	_ =	shalt  }
0x79: {  	_ =	shalt  }
0x7a: {  	_ =	shalt  }
0x7b: {  	_ =	shalt  }
0x7c: {  	_ =	shalt  }
0x7d: {  	_ =	shalt  }
0x7e: {  	_ =	shalt  }
0x7f: {  	_ =	shalt  }
0x80: {  	_ =	shalt  }
0x81: {  	_ =	shalt  }
0x82: {  	_ =	shalt  }
0x83: {  	_ =	shalt  }
0x84: {  	_ =	shalt  }
0x85: {  	_ =	shalt  }
0x86: {  	_ =	shalt  }
0x87: {  	_ =	shalt  }
.Lfunc_end0:
.L_simem_size_0:
called_computation_lowered:
.L_overlay_start_0:
0x88: {  	s2 =	sld [smem:$0x3FD9]  }
0x89: {  	s3 =	sld [smem:$0x3FFE];
	_ =	sdelay $0x1  }
0x8a: {  	s1 =	srdreg.scid  }
0x8b: {  	s0 =	sand.u32 $0x1, s1  }
0x8c: {  	s17 =	sshll.u32 s0, $0xA;
	s2 =	sadd.s32 s3, s2  }
0x8d: {  	s2 =	sadd.s32 s2, s17  }
0x8e: {  	[smem:$0x3FBA] =	sst s2  }
0x8f: {  	_ = 	snop  }
0x90: {  	(tm) =	ssettm $0x1  }
0x91: {  	s18 =	sld [smem:$0x3FFB];
	_ =	sdelay $0x3  }
0x92: {  	_ =	strace s18  }
0x93: {  	s2 =	sld [smem:$0x3FFC];
	_ =	sdelay $0x3  }
0x94: {  	_ =	strace s2  }
0x95: {  	s2 =	sld [smem:$0x3FFD];
	_ =	sdelay $0x3  }
0x96: {  	_ =	strace s2  }
0x97: {  	_ =	strace $0x8FFFFFFF  }
0x98: {  	s19 =	sld [smem:$0x3FDB];
	_ =	sdelay $0x1  }
0x99: {  	s20 =	simm.s32 $_scs_section_size  }
0x9a: {  	s4 =	simm.s32 $_size__tile_overlayer_lowered;
	s5 =	simm.s32 $_tile_overlayer_lowered  }
0x9b: {  	s6 =	simm.s32 $0x1BFF;
	s21 =	sshll.u32 s5, $0x1;
	s3 =	sadd.s32 s20, s19  }
0x9c: {  	s22 =	simm.s32 $0x0;
	s4 =	sshll.u32 s4, $0x1;
	s5 =	sadd.s32 s21, s3  }
0x9d: {  	[timem:s22], [sflag:s6] =	dma.local [hbm:s5], s4  }
0x9e: {  	_ =	swait.ge [sflag:s6], s4  }
0x9f: {  	s4 =	ssub.s32 $0x0, s4;
	[sflag:s6] =	ssyncset.done $0x0  }
0xa0: {  	[sflag:s6] =	ssyncadd.s32 s4;
	_ =	sdelay $0x1  }
0xa1: {  	s23 =	simm.s32 $0x1B8B  }
0xa2: {  	_ =	swait.ge [sflag:s23], $0x1  }
0xa3: {  	[sflag:s23] =	ssyncset.done $0x0  }
0xa4: {  	[sflag:s23] =	ssyncadd.s32 $0xFFFFFFFF  }
0xa5: {  	s4 =	sld [smem:$0x0]  }
0xa6: {  	s5 =	sand.u32 $0xFFFFFFFE, s1  }
0xa7: {  	p0 =	sne.s32 s1, s5  }
0xa8: {  	s5 =	sshll.u32 @p0 s5, $0xE  }
0xa9: {  	s5 =	sadd.s32 @p0 $0x11B8D, s5;
	s6 =	sshll.u32 @p0 s4, $0x11  }
0xaa: {  	s5 =	sor.u32 @p0 s6, s5  }
0xab: {  	[sflag:s5] =	ssyncadd.remote.s32 @p0 $0x1;
	_ =	sdelay $0x1  }
0xac: {  	s5 =	simm.s32 @p0 $0x1B8D  }
0xad: {  	_ =	swait.eq @p0 [sflag:s5], $0x1  }
0xae: {  	[sflag:s5] =	ssyncadd.s32 @p0 $0xFFFFFFFF  }
0xaf: {  	s6 =	sshll.u32 @!p0 s1, $0xE  }
0xb0: {  	s6 =	sor.u32 @!p0 $0x4000, s6;
	s5 =	simm.s32 @!p0 $0x1B8D  }
0xb1: {  	s4 =	sshll.u32 @!p0 s4, $0x11;
	s6 =	sadd.s32 @!p0 $0x11B8D, s6;
	_ =	swait.eq @!p0 [sflag:s5], $0x1  }
0xb2: {  	s4 =	sor.u32 @!p0 s4, s6;
	[sflag:s5] =	ssyncadd.s32 @!p0 $0xFFFFFFFF  }
0xb3: {  	s25 =	simm.s32 $0x1B8E;
	s24 =	sld [smem:$0x3FFE];
	[sflag:s4] =	ssyncadd.remote.s32 @!p0 $0x1  }
0xb4: {  	s26 =	simm.s32 $execute0_lowered;
	[smem:$0x3FD2] =	sst s25  }
0xb5: {  	s5 =	sshll.u32 s26, $0x1;
	_ =	strace $0x80000049;
	[dreg:$0x1] =	wrdreg $0xFFFFFFFF  }
0xb6: {  	s28 =	simm.s32 $_size_execute0_lowered;
	s3 =	sadd.s32 s3, s5;
	[dreg:$0x0] =	wrdreg $0x0  }
0xb7: {  	s5 =	sshll.u32 s28, $0x1;
	[dreg:$0x2] =	wrdreg s3  }
0xb8: {  	[dreg:$0x3] =	wrdreg s5  }
0xb9: {  	[dreg:$0x4] =	wrdreg $0xC0  }
0xba: {  	_ =	task [dreg:s22], $0x5FFFF  }
0xbb: {  	[dreg:$0x1] =	wrdreg $0xFFFFFFFF  }
0xbc: {  	[dreg:$0x0] =	wrdreg $0x60  }
0xbd: {  	[dreg:$0x2] =	wrdreg s24  }
0xbe: {  	[dreg:$0x3] =	wrdreg $0x40800  }
0xbf: {  	[dreg:$0x4] =	wrdreg $0x9  }
0xc0: {  	_ =	task.clear_ibuf [dreg:s22], $0x5FFFF;
	_ =	strace $0x90000049  }
0xc1: {  	s29 =	simm.s32 $0x9;
	_ =	strace $0x8000004B  }
0xc2: {  	_ =	swait.ge [sflag:s29], $0x1  }
0xc3: {  	[sflag:s29] =	ssyncadd.s32 $0xFFFFFFFF  }
0xc4: {  	_ =	strace $0x9000004B  }
0xc5: {  	_ =	sfence  }
0xc6: {  	s30 =	sld [smem:$0x0];
	_ =	sdelay $0x2  }
0xc7: {  	s31 =	sshll.u32 s1, $0xD;
	s1 =	sshrl.u32 s1, $0x2  }
0xc8: {  	s4 =	sand.u32 $0x4000, s31;
	s1 =	sadd.s32 s1, s30  }
0xc9: {  	s0 =	sor.u32 s4, s0;
	s1 =	sshll.u32 s1, $0x11  }
0xca: {  	s0 =	sor.u32 s1, s0  }
0xcb: {  	s0 =	sadd.s32 $0x8F2B, s0  }
0xcc: {  	[sflag:s0] =	ssyncadd.remote.s32 $0x1  }
0xcd: {  	_ =	sfence.sel $0xFFFF  }
0xce: {  	[dreg:$0x0] =	wrdreg $0xFFFFFFFF;
	(pc) =	sbr.abs _section_cstart, $3  }
0xcf: {  	[dreg:$0x1] =	wrdreg $0xFFFFFFFF  }
0xd0: {  	_ =	task.clear_ibuf [dreg:s22], $0x2FFFF;
	_ =	strace $0x9FFFFFFF  }
0xd1: {  	(tm) =	ssettm $0x7FFFFFFF  }
tec
execute0_lowered:
.L_overlay_start_1:
0x0: {  	(tag) =	ssettag $0x1  }
0x1: {  	s6 =	rddreg [dreg:$0x0]  }
0x2: {  	s0 =	srdreg.scid;
	s1 =	stileid.u32  }
0x3: {  	s2 =	rddreg [dreg:$0x1];
	s8 =	smul.u32 $0x2800, s1  }
0x4: {  	s3 =	simm.s32 $0x0;
	s15 =	simm.s32 $0x1;
	s10 =	smul.u32 $0x50000, s1  }
0x5: {  	s7 =	sand.u32 $0x1, s0;
	s0 =	rddreg [dreg:$0x2];
	s13 =	smul.u32 $0x4F0, s1  }
0x6: {  	s18 =	simm.s32 $0x0;
	[smem:$0x7FF] =	sst s3;
	s4 =	smul.u32 $0x4F00, s7  }
0x7: {  	s5 =	sadd.s32 $0x71A00, s6;
	s16 =	sshll.u32 s1, $0x6;
	s9 =	smul.u32 $0x28000, s7  }
0x8: {  	_ =	strace $0x8000004A;
	s7 =	ssub.s32 $0x2, s7;
	s16 =	sor.u32 $0x1C01, s16  }
0x9: {  	s30 =	sshrl.u32 s10, $0x2;
	s31 =	sshrl.u32 s7, $0x1;
	s11 =	sadd.s32 s4, s6  }
0xa: {  	s4 =	sadd.s32 $0x21200, s6;
	s8 =	sadd.s32 s8, s9;
	s14 =	ssub.s32 s7, s31  }
0xb: {  	s12 =	sadd.s32 s8, s6;
	s6 =	sadd.s32 s30, s2;
	s13 =	sadd.s32 s13, s11  }
0xc: {  	s7 =	sadd.s32 $0x4000, s6;
	s8 =	sadd.s32 $0x8000, s6;
	s9 =	sadd.s32 $0xC000, s6  }
0xd: {  	s10 =	sadd.s32 $0x10000, s6;
	s11 =	sadd.s32 $0x72200, s12;
	s12 =	smax.u32 s14, $0x1  }
0xe: {  	s13 =	sadd.s32 $0x3800, s13;
	s14 =	simm.s32 $0x80;
	s17 =	sshrl.u32 s6, $0x3  }
.LBB2_1:
0xf: {  	[tilespmem:s14], [sflag:$0x1] =	stream.linear.gather [hbm4b:s4+s3], $0x4000, $0x38;
	[tilespmem:$0x18080] =	vst v63  }
0x10: {  	_ =	swait.ge [sflag:s15], $0x4000  }
0x11: {  	[sflag:s15] =	ssyncset.done $0x0  }
0x12: {  	[sflag:s15] =	ssyncadd.s32 $0xFFFFC000  }
0x13: {  	[spmem:s6] =	stream.linear.scatter [tilespmem:s14], [sflag:$0x1], $0x4000, $0x38;
	[tilespmem:$0x18080] =	vst v63  }
0x14: {  	_ =	swait.ge [sflag:s15], $0x4000  }
0x15: {  	[sflag:s15] =	ssyncset.done $0x0  }
0x16: {  	[sflag:s15] =	ssyncadd.s32 $0xFFFFC000  }
0x17: {  	[spmem:s7] =	stream.linear.scatter [tilespmem:s14], [sflag:$0x1], $0x4000, $0x38;
	[tilespmem:$0x18080] =	vst v63  }
0x18: {  	_ =	swait.ge [sflag:s15], $0x4000  }
0x19: {  	[sflag:s15] =	ssyncset.done $0x0  }
0x1a: {  	[sflag:s15] =	ssyncadd.s32 $0xFFFFC000  }
0x1b: {  	[spmem:s8] =	stream.linear.scatter [tilespmem:s14], [sflag:$0x1], $0x4000, $0x38;
	[tilespmem:$0x18080] =	vst v63  }
0x1c: {  	_ =	swait.ge [sflag:s15], $0x4000  }
0x1d: {  	[sflag:s15] =	ssyncset.done $0x0  }
0x1e: {  	[sflag:s15] =	ssyncadd.s32 $0xFFFFC000  }
0x1f: {  	[spmem:s9] =	stream.linear.scatter [tilespmem:s14], [sflag:$0x1], $0x4000, $0x38;
	[tilespmem:$0x18080] =	vst v63  }
0x20: {  	_ =	swait.ge [sflag:s15], $0x4000  }
0x21: {  	[sflag:s15] =	ssyncset.done $0x0  }
0x22: {  	[sflag:s15] =	ssyncadd.s32 $0xFFFFC000  }
0x23: {  	[spmem:s10] =	stream.linear.scatter [tilespmem:s14], [sflag:$0x1], $0x4000, $0x38;
	[tilespmem:$0x18080] =	vst v63  }
0x24: {  	_ =	swait.ge [sflag:s15], $0x4000  }
0x25: {  	[sflag:s15] =	ssyncset.done $0x0  }
0x26: {  	[sflag:s15] =	ssyncadd.s32 $0xFFFFC000  }
0x27: {  	[tilespmem:s14], [sflag:$0x1] =	stream.linear.gather [hbm4b:s5+s3], $0x4000, $0x38;
	[tilespmem:$0x18080] =	vst v63  }
0x28: {  	_ =	swait.ge [sflag:s15], $0x4000  }
0x29: {  	[sflag:s15] =	ssyncset.done $0x0  }
0x2a: {  	[sflag:s15] =	ssyncadd.s32 $0xFFFFC000  }
0x2b: {  	s19 =	sadd.s32 $0x0, s13;
	[bflag:$0x0] =	sbarrier.arrive $0xFFFF  }
0x2c: {  	[tilespmem:s3], [sflag:$0x1] =	stream.linear.gather [hbm4b:s19+s3], $0x80, $0x38;
	[tilespmem:$0x18080] =	vst v63  }
0x2d: {  	_ =	swait.ge [sflag:s15], $0x80  }
0x2e: {  	[sflag:s15] =	ssyncset.done $0x0  }
0x2f: {  	[sflag:s15] =	ssyncadd.s32 $0xFFFFFF80  }
0x30: {  	[spmem:s2] =	stream.indirect.scatter.add.f32 [tilespmem:s14], [sflag:$0x1], $0x80, s3, s14, $0xb8;
	[tilespmem:$0x18080] =	vst v63  }
0x31: {  	_ =	swait.ge [sflag:s15], $0x4000  }
0x32: {  	s20 =	simm.s32 $0x20;
	s19 =	simm.s32 $0x10;
	[sflag:s15] =	ssyncset.done $0x0  }
.LBB2_2:
0x33: {  	s21 =	sadd.s32 s19, s13  }
0x34: {  	[sflag:s15] =	ssyncadd.s32 $0xFFFFC000;
	s19 =	smov.u32 s20;
	s22 =	sadd.s32 $0x10, s20  }
0x35: {  	[tilespmem:s3], [sflag:$0x1] =	stream.linear.gather [hbm4b:s21+s3], $0x80, $0x38;
	[tilespmem:$0x18080] =	vst v63  }
0x36: {  	p0 =	sne.s32 s20, $0x4E0;
	_ =	swait.ge [sflag:s15], $0x80  }
.Ltmp0:
0x37: {  	[sflag:s15] =	ssyncset.done $0x0;
	(pc) =	sbr.rel @p0 .LBB2_2-.Ltmp0, $4  }
0x38: {  	[sflag:s15] =	ssyncadd.s32 $0xFFFFFF80  }
0x39: {  	[spmem:s2] =	stream.indirect.scatter.add.f32 [tilespmem:s14], [sflag:$0x1], $0x80, s3, s14, $0xb8;
	[tilespmem:$0x18080] =	vst v63  }
0x3a: {  	_ =	swait.ge [sflag:s15], $0x4000  }
0x3b: {  	s20 =	smov.u32 s22;
	[sflag:s15] =	ssyncset.done $0x0  }
0x3c: {  	s19 =	sadd.s32 s19, s13;
	[sflag:s15] =	ssyncadd.s32 $0xFFFFC000  }
0x3d: {  	[tilespmem:s3], [sflag:$0x1] =	stream.linear.gather [hbm4b:s19+s3], $0x80, $0x38;
	[tilespmem:$0x18080] =	vst v63  }
0x3e: {  	_ =	swait.ge [sflag:s15], $0x80  }
0x3f: {  	[sflag:s15] =	ssyncset.done $0x0  }
0x40: {  	[sflag:s15] =	ssyncadd.s32 $0xFFFFFF80  }
0x41: {  	[spmem:s2] =	stream.indirect.scatter.add.f32 [tilespmem:s14], [sflag:$0x1], $0x80, s3, s14, $0xb8;
	[tilespmem:$0x18080] =	vst v63  }
0x42: {  	_ =	swait.ge [sflag:s15], $0x4000  }
0x43: {  	s18 =	sadd.s32 $0x1, s18;
	[sflag:s15] =	ssyncset.done $0x0  }
0x44: {  	p0 =	sne.s32 s18, s12;
	[sflag:s15] =	ssyncadd.s32 $0xFFFFC000  }
.Ltmp1:
0x45: {  	[bflag:$0x0] =	sbarrier.arrive $0xFFFF;
	(pc) =	sbr.rel @p0 .LBB2_1-.Ltmp1, $4  }
0x46: {  	[hbm:s11], [sflag:s16] =	dma.local [spmem:s17], $0x2800  }
0x47: {  	_ =	swait.ge [sflag:s15], $0x2800  }
0x48: {  	[sflag:s15] =	ssyncset.done $0x0  }
0x49: {  	[sflag:s15] =	ssyncadd.s32 $0xFFFFD800  }
0x4a: {  	_ =	sfence.sel $0x180000  }
0x4b: {  	[bflag:$0x0] =	sbarrier.arrive $0xFFFF  }
0x4c: {  	p0 =	sne.s32 s1, $0x0;
	_ =	strace $0x9000004A  }
0x4d: {  	s0 =	sadd.s32 @!p0 $0x100000, s0;
	[bflag:$0x2] =	sbarrier.arrive $0xFFFF  }
0x4e: {  	[sflag:s0] =	ssyncadd.tile.s32 @!p0 $0x1;
	_ =	shalt  }
.Lfunc_end2:
_tile_overlayer_lowered:
.L_overlay_start_2:
0x4f: {  	(tag) =	ssettag $0x2  }
0x50: {  	s0 =	rddreg [dreg:$0x0];
	s2 =	stileid.u32  }
0x51: {  	s1 =	rddreg [dreg:$0x1];
	p0 =	sne.s32 s2, $0x0  }
0x52: {  	s3 =	rddreg [dreg:$0x2];
	[bflag:$0x3] =	sbarrier.arrive $0xFFFF;
	s2 =	simm.s32 @!p0 $0x1C01  }
0x53: {  	[timem:s3], [sflag:s2] =	dma.local @!p0 [hbm:s0], s1  }
0x54: {  	s0 =	simm.s32 @!p0 $0x1  }
0x55: {  	_ =	swait.ge @!p0 [sflag:s0], s1  }
0x56: {  	s1 =	ssub.s32 @!p0 $0x0, s1;
	[sflag:s0] =	ssyncset.done @!p0 $0x0  }
0x57: {  	[sflag:s0] =	ssyncadd.s32 @!p0 s1  }
0x58: {  	[bflag:$0x3] =	sbarrier.arrive $0xFFFF  }
0x59: {  	_ =	shalt  }

// kernel: kernel.13.cloned.1.call-start
scs
__scs_entry_jumppad:
0x0: {  	(pc) =	sbr.rel $0x88, $3  }
0x1: {  	(tag) =	ssettag $0x0;
	lr =	simm.s32 $0x1  }
0x2: {  	[smem:$0x3F93] =	sst lr;
	_ =	strace $0xD0000000  }
0x3: {  	_ = 	snop  }
0x4: {  	_ = 	snop  }
0x5: {  	_ = 	snop  }
0x6: {  	_ = 	snop  }
0x7: {  	_ = 	snop  }
__scs_overlays_trampoline_lowered:
0x8: {  	[smem:$0x3FA2] =	sst s0  }
0x9: {  	[smem:$0x3FA3] =	sst s1  }
0xa: {  	[smem:$0x3FA4] =	sst s2  }
0xb: {  	[smem:$0x3FA5] =	sst s3  }
0xc: {  	[smem:$0x3FA6] =	sst s4  }
0xd: {  	[smem:$0x3FA7] =	sst s5  }
0xe: {  	[smem:$0x3FA8] =	sst s6  }
0xf: {  	[smem:$0x3FA9] =	sst s7  }
0x10: {  	[smem:$0x3FAA] =	sst s8  }
0x11: {  	[smem:$0x3FAB] =	sst s9;
	s0 =	simm.s32 @!p0 $0x0  }
0x12: {  	s1 =	sld [smem:$0x3F91];
	s0 =	simm.s32 @p0 $0x1  }
0x13: {  	[smem:$0x3FAC] =	sst s0;
	s0 =	simm.s32 @!p1 $0x0  }
0x14: {  	s2 =	sld [smem:$0x3F90];
	s0 =	simm.s32 @p1 $0x1  }
0x15: {  	[smem:$0x3FAD] =	sst s0;
	s0 =	simm.s32 @!p2 $0x0  }
0x16: {  	s3 =	sld [smem:$0x3FDB];
	s0 =	simm.s32 @p2 $0x1  }
0x17: {  	s4 =	simm.s32 $0x1BF5;
	[smem:$0x3FAF] =	sst s0  }
0x18: {  	s0 =	sld [smem:$0x3F92];
	_ =	swait.ge [sflag:s4], $0x0  }
0x19: {  	s7 =	sld [smem:$0x3F93]  }
0x1a: {  	s8 =	sadd.s32 $0xFFFFE003, lr  }
0x1b: {  	s9 =	sadd.s32 $0xFFFFFEF7, lr;
	s5 =	simm.s32 $0xFFFFFFFF;
	p2 =	slt.u32 s8, $0xFFFFF086  }
0x1c: {  	p1 =	slt.u32 s9, $0xF7A;
	s5 =	simm.s32 @!p2 $0x0  }
0x1d: {  	s5 =	simm.s32 @p1 $0x1;
	p0 =	seq.s32 s7, s2  }
0x1e: {  	s7 =	smul.u32 @!p0 $0xF7A, s2;
	p2 =	seq.s32 @!p0 s5, $0x0  }
0x1f: {  	s9 =	smul.u32 $0xF7A, s1;
	s8 =	simm.s32 @!p0 $0x1BF5;
	p2 =	por !p2, p0  }
0x20: {  	[sflag:s8] =	ssyncset.s32 @!p0 $0xFFFFF086;
	s6 =	sadd.s32 @!p0 s3, s7;
	s7 =	simm.s32 @!p0 $0x108  }
0x21: {  	s3 =	sadd.s32 s3, s9;
	s6 =	sadd.s32 @!p0 $0x88, s6;
	s7 =	simm.s32 @p2 $0x1082  }
0x22: {  	[simem:s7], [sflag:s8] =	dma.local @!p0 [hbm:s6], $0xF7A  }
0x23: {  	s9 =	sor.u32 $0xD0000000, s2;
	s6 =	simm.s32 $0x108;
	_ =	swait.ge @!p0 [sflag:s8], $0x0  }
0x24: {  	s3 =	sadd.s32 $0x88, s3;
	s6 =	simm.s32 @!p1 $0x1082;
	[sflag:s4] =	ssyncset.s32 $0xFFFFF086  }
0x25: {  	[simem:s6], [sflag:s4] =	dma.local [hbm:s3], $0xF7A  }
0x26: {  	[smem:$0x3F93] =	sst s1;
	(tag) =	ssettag s2;
	_ =	strace s9  }
0x27: {  	s1 =	sld [smem:$0x3FA3]  }
0x28: {  	s2 =	sld [smem:$0x3FA4]  }
0x29: {  	s4 =	sld [smem:$0x3FA6]  }
0x2a: {  	p0 =	seq.s32 s5, $0x0;
	s5 =	sld [smem:$0x3FA7]  }
0x2b: {  	s6 =	sld [smem:$0x3FA8]  }
0x2c: {  	s7 =	sld [smem:$0x3FA9]  }
0x2d: {  	s3 =	simm.s32 $0x108;
	s8 =	sld [smem:$0x3FAA]  }
0x2e: {  	s3 =	simm.s32 @!p0 $0x1082;
	s9 =	sld [smem:$0x3FAB]  }
0x2f: {  	lr =	sadd.s32 s0, s3;
	s0 =	sld [smem:$0x3FA2]  }
0x30: {  	s3 =	sld [smem:$0x3FA5]  }
0x31: {  	[smem:$0x3FAE] =	sst s10  }
0x32: {  	s10 =	sld [smem:$0x3FAC];
	_ =	sdelay $0x3  }
0x33: {  	p0 =	seq.s32 s10, $0x1;
	s10 =	sld [smem:$0x3FAE];
	_ =	sdelay $0x3  }
0x34: {  	[smem:$0x3FAE] =	sst s10  }
0x35: {  	s10 =	sld [smem:$0x3FAD];
	_ =	sdelay $0x3  }
0x36: {  	p1 =	seq.s32 s10, $0x1;
	s10 =	sld [smem:$0x3FAE];
	_ =	sdelay $0x3  }
0x37: {  	[smem:$0x3FAE] =	sst s10  }
0x38: {  	s10 =	sld [smem:$0x3FAF]  }
0x39: {  	_ = 	snop;
	(pc) =	sbr.ind lr, $3  }
0x3a: {  	_ = 	snop  }
0x3b: {  	_ = 	snop  }
0x3c: {  	p2 =	seq.s32 s10, $0x1;
	s10 =	sld [smem:$0x3FAE]  }
0x3d: {  	_ =	shalt  }
0x3e: {  	_ =	shalt  }
0x3f: {  	_ =	shalt  }
0x40: {  	_ =	shalt  }
0x41: {  	_ =	shalt  }
0x42: {  	_ =	shalt  }
0x43: {  	_ =	shalt  }
0x44: {  	_ =	shalt  }
0x45: {  	_ =	shalt  }
0x46: {  	_ =	shalt  }
0x47: {  	_ =	shalt  }
0x48: {  	_ =	shalt  }
0x49: {  	_ =	shalt  }
0x4a: {  	_ =	shalt  }
0x4b: {  	_ =	shalt  }
0x4c: {  	_ =	shalt  }
0x4d: {  	_ =	shalt  }
0x4e: {  	_ =	shalt  }
0x4f: {  	_ =	shalt  }
0x50: {  	_ =	shalt  }
0x51: {  	_ =	shalt  }
0x52: {  	_ =	shalt  }
0x53: {  	_ =	shalt  }
0x54: {  	_ =	shalt  }
0x55: {  	_ =	shalt  }
0x56: {  	_ =	shalt  }
0x57: {  	_ =	shalt  }
0x58: {  	_ =	shalt  }
0x59: {  	_ =	shalt  }
0x5a: {  	_ =	shalt  }
0x5b: {  	_ =	shalt  }
0x5c: {  	_ =	shalt  }
0x5d: {  	_ =	shalt  }
0x5e: {  	_ =	shalt  }
0x5f: {  	_ =	shalt  }
0x60: {  	_ =	shalt  }
0x61: {  	_ =	shalt  }
0x62: {  	_ =	shalt  }
0x63: {  	_ =	shalt  }
0x64: {  	_ =	shalt  }
0x65: {  	_ =	shalt  }
0x66: {  	_ =	shalt  }
0x67: {  	_ =	shalt  }
0x68: {  	_ =	shalt  }
0x69: {  	_ =	shalt  }
0x6a: {  	_ =	shalt  }
0x6b: {  	_ =	shalt  }
0x6c: {  	_ =	shalt  }
0x6d: {  	_ =	shalt  }
0x6e: {  	_ =	shalt  }
0x6f: {  	_ =	shalt  }
0x70: {  	_ =	shalt  }
0x71: {  	_ =	shalt  }
0x72: {  	_ =	shalt  }
0x73: {  	_ =	shalt  }
0x74: {  	_ =	shalt  }
0x75: {  	_ =	shalt  }
0x76: {  	_ =	shalt  }
0x77: {  	_ =	shalt  }
0x78: {  	_ =	shalt  }
0x79: {  	_ =	shalt  }
0x7a: {  	_ =	shalt  }
0x7b: {  	_ =	shalt  }
0x7c: {  	_ =	shalt  }
0x7d: {  	_ =	shalt  }
0x7e: {  	_ =	shalt  }
0x7f: {  	_ =	shalt  }
0x80: {  	_ =	shalt  }
0x81: {  	_ =	shalt  }
0x82: {  	_ =	shalt  }
0x83: {  	_ =	shalt  }
0x84: {  	_ =	shalt  }
0x85: {  	_ =	shalt  }
0x86: {  	_ =	shalt  }
0x87: {  	_ =	shalt  }
.Lfunc_end0:
.L_simem_size_0:
called_computation.1_lowered:
.L_overlay_start_0:
0x88: {  	s2 =	sld [smem:$0x3FD9]  }
0x89: {  	s3 =	sld [smem:$0x3FFE];
	_ =	sdelay $0x1  }
0x8a: {  	s1 =	srdreg.scid  }
0x8b: {  	s0 =	sand.u32 $0x1, s1  }
0x8c: {  	s17 =	sshll.u32 s0, $0xA;
	s2 =	sadd.s32 s3, s2  }
0x8d: {  	s2 =	sadd.s32 s2, s17  }
0x8e: {  	[smem:$0x3FBA] =	sst s2  }
0x8f: {  	_ = 	snop  }
0x90: {  	s2 =	sld [smem:$0x3FC9];
	(tm) =	ssettm $0x1  }
0x91: {  	s18 =	sld [smem:$0x3FFB];
	_ =	sdelay $0x3  }
0x92: {  	_ =	strace s18  }
0x93: {  	s3 =	sld [smem:$0x3FFC];
	_ =	sdelay $0x3  }
0x94: {  	_ =	strace s3  }
0x95: {  	s3 =	sld [smem:$0x3FFD];
	_ =	sdelay $0x3  }
0x96: {  	_ =	strace s3  }
0x97: {  	_ =	strace $0x8FFFFFFF  }
0x98: {  	s19 =	sld [smem:$0x3FDB];
	_ =	sdelay $0x1  }
0x99: {  	s4 =	simm.s32 $_scs_section_size  }
0x9a: {  	s5 =	simm.s32 $_size__tile_overlayer_lowered;
	s6 =	simm.s32 $_tile_overlayer_lowered  }
0x9b: {  	s22 =	simm.s32 $0x1BFF;
	s21 =	sshll.u32 s6, $0x1;
	s3 =	sadd.s32 s4, s19  }
0x9c: {  	s7 =	simm.s32 $0x0;
	s20 =	sshll.u32 s5, $0x1;
	s5 =	sadd.s32 s21, s3  }
0x9d: {  	[timem:s7], [sflag:s22] =	dma.local [hbm:s5], s20  }
0x9e: {  	_ =	swait.ge [sflag:s22], s20  }
0x9f: {  	s4 =	ssub.s32 $0x0, s20;
	[sflag:s22] =	ssyncset.done $0x0  }
0xa0: {  	[sflag:s22] =	ssyncadd.s32 s4;
	_ =	sdelay $0x1  }
0xa1: {  	s23 =	simm.s32 $0x1B8B  }
0xa2: {  	_ =	swait.ge [sflag:s23], $0x1  }
0xa3: {  	[sflag:s23] =	ssyncset.done $0x0  }
0xa4: {  	s25 =	simm.s32 $0x1B8E;
	s24 =	sld [smem:$0x3FFE];
	[sflag:s23] =	ssyncadd.s32 $0xFFFFFFFF  }
0xa5: {  	s26 =	simm.s32 $execute0_lowered;
	[smem:$0x3FD2] =	sst s25  }
0xa6: {  	s5 =	sshll.u32 s26, $0x1;
	_ =	strace $0x80000046;
	[dreg:$0x1] =	wrdreg $0xFFFFFFFF  }
0xa7: {  	s28 =	simm.s32 $_size_execute0_lowered;
	s3 =	sadd.s32 s3, s5;
	[dreg:$0x0] =	wrdreg $0x0  }
0xa8: {  	s5 =	sshll.u32 s28, $0x1;
	[dreg:$0x2] =	wrdreg s3  }
0xa9: {  	[dreg:$0x3] =	wrdreg s5  }
0xaa: {  	[dreg:$0x4] =	wrdreg $0xC0  }
0xab: {  	_ =	task [dreg:s7], $0x5FFFF  }
0xac: {  	[dreg:$0x1] =	wrdreg $0xFFFFFFFF  }
0xad: {  	[dreg:$0x0] =	wrdreg $0x60  }
0xae: {  	[dreg:$0x2] =	wrdreg s2  }
0xaf: {  	[dreg:$0x3] =	wrdreg s24  }
0xb0: {  	[dreg:$0x4] =	wrdreg $0x41000  }
0xb1: {  	[dreg:$0x5] =	wrdreg $0xA  }
0xb2: {  	_ =	task.clear_ibuf [dreg:s7], $0x6FFFF;
	_ =	strace $0x90000046  }
0xb3: {  	s29 =	simm.s32 $0xA;
	_ =	strace $0x80000048  }
0xb4: {  	_ =	swait.ge [sflag:s29], $0x1  }
0xb5: {  	[sflag:s29] =	ssyncadd.s32 $0xFFFFFFFF  }
0xb6: {  	_ =	strace $0x90000048  }
0xb7: {  	_ =	sfence  }
0xb8: {  	s30 =	sld [smem:$0x0];
	_ =	sdelay $0x2  }
0xb9: {  	s31 =	sshll.u32 s1, $0xD;
	s1 =	sshrl.u32 s1, $0x2  }
0xba: {  	s3 =	sand.u32 $0x4000, s31;
	s1 =	sadd.s32 s1, s30  }
0xbb: {  	s0 =	sor.u32 s3, s0;
	s1 =	sshll.u32 s1, $0x11  }
0xbc: {  	s0 =	sor.u32 s1, s0  }
0xbd: {  	s0 =	sadd.s32 $0x8F2B, s0  }
0xbe: {  	[sflag:s0] =	ssyncadd.remote.s32 $0x1  }
0xbf: {  	_ =	sfence.sel $0xFFFF  }
0xc0: {  	[dreg:$0x0] =	wrdreg $0xFFFFFFFF;
	(pc) =	sbr.abs _section_cstart, $3  }
0xc1: {  	[dreg:$0x1] =	wrdreg $0xFFFFFFFF  }
0xc2: {  	_ =	task.clear_ibuf [dreg:s7], $0x2FFFF;
	_ =	strace $0x9FFFFFFF  }
0xc3: {  	(tm) =	ssettm $0x7FFFFFFF  }
tec
execute0_lowered:
.L_overlay_start_1:
0x0: {  	(tag) =	ssettag $0x1  }
0x1: {  	s0 =	rddreg [dreg:$0x0]  }
0x2: {  	s6 =	rddreg [dreg:$0x1]  }
0x3: {  	s1 =	srdreg.scid;
	s3 =	rddreg [dreg:$0x2]  }
0x4: {  	s2 =	rddreg [dreg:$0x3];
	s4 =	simm.s32 $0x0;
	s7 =	sand.u32 $0x1, s1  }
0x5: {  	s15 =	simm.s32 $0x2;
	s1 =	stileid.u32;
	s5 =	smul.u32 $0x9E00, s7  }
0x6: {  	s16 =	simm.s32 $0x80;
	s17 =	simm.s32 $0x1;
	s8 =	smul.u32 $0x2800, s1  }
0x7: {  	s20 =	simm.s32 $0x0;
	[smem:$0x7FF] =	sst s4;
	s9 =	smul.u32 $0x28000, s7  }
0x8: {  	s10 =	smul.u32 $0x50000, s1;
	_ =	strace $0x80000047;
	s7 =	ssub.s32 $0x2, s7  }
0x9: {  	s14 =	smul.u32 $0x9E0, s1;
	s18 =	sshll.u32 s1, $0x6;
	s31 =	sshrl.u32 s7, $0x1  }
0xa: {  	s18 =	sor.u32 $0x1C02, s18;
	s13 =	sadd.s32 s5, s6;
	s5 =	sadd.s32 $0x21200, s6  }
0xb: {  	s8 =	sadd.s32 s8, s9;
	s30 =	sshrl.u32 s10, $0x2;
	s12 =	ssub.s32 s7, s31  }
0xc: {  	s11 =	sadd.s32 s8, s6;
	s6 =	sadd.s32 s30, s3;
	s12 =	smax.u32 s12, $0x1  }
0xd: {  	s13 =	sadd.s32 s14, s13;
	s14 =	simm.s32 $0x100;
	s7 =	sadd.s32 $0x4000, s6  }
0xe: {  	s8 =	sadd.s32 $0x8000, s6;
	s9 =	sadd.s32 $0xC000, s6;
	s10 =	sadd.s32 $0x10000, s6  }
0xf: {  	s11 =	sadd.s32 $0x21A00, s11;
	s13 =	sadd.s32 $0xD600, s13;
	s19 =	sshrl.u32 s6, $0x3  }
.LBB2_1:
0x10: {  	[tilespmem:s14], [sflag:$0x2] =	stream.linear.gather [hbm4b:s5+s4], $0x4000, $0x38;
	[tilespmem:$0x18100] =	vst v63  }
0x11: {  	_ =	swait.ge [sflag:s15], $0x4000  }
0x12: {  	[sflag:s15] =	ssyncset.done $0x0  }
0x13: {  	[sflag:s15] =	ssyncadd.s32 $0xFFFFC000  }
0x14: {  	[spmem:s6] =	stream.linear.scatter [tilespmem:s14], [sflag:$0x2], $0x4000, $0x38;
	[tilespmem:$0x18100] =	vst v63  }
0x15: {  	_ =	swait.ge [sflag:s15], $0x4000  }
0x16: {  	[sflag:s15] =	ssyncset.done $0x0  }
0x17: {  	[sflag:s15] =	ssyncadd.s32 $0xFFFFC000  }
0x18: {  	[spmem:s7] =	stream.linear.scatter [tilespmem:s14], [sflag:$0x2], $0x4000, $0x38;
	[tilespmem:$0x18100] =	vst v63  }
0x19: {  	_ =	swait.ge [sflag:s15], $0x4000  }
0x1a: {  	[sflag:s15] =	ssyncset.done $0x0  }
0x1b: {  	[sflag:s15] =	ssyncadd.s32 $0xFFFFC000  }
0x1c: {  	[spmem:s8] =	stream.linear.scatter [tilespmem:s14], [sflag:$0x2], $0x4000, $0x38;
	[tilespmem:$0x18100] =	vst v63  }
0x1d: {  	_ =	swait.ge [sflag:s15], $0x4000  }
0x1e: {  	[sflag:s15] =	ssyncset.done $0x0  }
0x1f: {  	[sflag:s15] =	ssyncadd.s32 $0xFFFFC000  }
0x20: {  	[spmem:s9] =	stream.linear.scatter [tilespmem:s14], [sflag:$0x2], $0x4000, $0x38;
	[tilespmem:$0x18100] =	vst v63  }
0x21: {  	_ =	swait.ge [sflag:s15], $0x4000  }
0x22: {  	[sflag:s15] =	ssyncset.done $0x0  }
0x23: {  	[sflag:s15] =	ssyncadd.s32 $0xFFFFC000  }
0x24: {  	[spmem:s10] =	stream.linear.scatter [tilespmem:s14], [sflag:$0x2], $0x4000, $0x38;
	[tilespmem:$0x18100] =	vst v63  }
0x25: {  	_ =	swait.ge [sflag:s15], $0x4000  }
0x26: {  	[sflag:s15] =	ssyncset.done $0x0  }
0x27: {  	[sflag:s15] =	ssyncadd.s32 $0xFFFFC000  }
0x28: {  	s21 =	sadd.s32 $0x0, s13;
	[bflag:$0x0] =	sbarrier.arrive $0xFFFF  }
0x29: {  	[tilespmem:s4], [sflag:$0x2] =	stream.linear.gather [hbm4b:s21+s4], $0x100, $0x38;
	[tilespmem:$0x18100] =	vst v63  }
0x2a: {  	_ =	swait.ge [sflag:s15], $0x100  }
0x2b: {  	[sflag:s15] =	ssyncset.done $0x0  }
0x2c: {  	[sflag:s15] =	ssyncadd.s32 $0xFFFFFF00  }
0x2d: {  	[tilespmem:s14], [sflag:$0x1] =	stream.indirect.gather [hbm4b:s0+s16], $0x80, s4, s16, $0xb8;
	[tilespmem:$0x18100] =	vst v63  }
0x2e: {  	_ =	swait.ge [sflag:s17], $0x4000  }
0x2f: {  	[sflag:s17] =	ssyncset.done $0x0  }
0x30: {  	[sflag:s17] =	ssyncadd.s32 $0xFFFFC000  }
0x31: {  	[spmem:s3] =	stream.indirect.scatter.add.f32 [tilespmem:s14], [sflag:$0x2], $0x80, s16, s16, $0xb8;
	[tilespmem:$0x18100] =	vst v63  }
0x32: {  	_ =	swait.ge [sflag:s15], $0x4000  }
0x33: {  	s22 =	simm.s32 $0x40;
	s21 =	simm.s32 $0x20;
	[sflag:s15] =	ssyncset.done $0x0  }
.LBB2_2:
0x34: {  	s23 =	sadd.s32 s21, s13  }
0x35: {  	[sflag:s15] =	ssyncadd.s32 $0xFFFFC000;
	s21 =	smov.u32 s22;
	s24 =	sadd.s32 $0x20, s22  }
0x36: {  	[tilespmem:s4], [sflag:$0x2] =	stream.linear.gather [hbm4b:s23+s4], $0x100, $0x38;
	[tilespmem:$0x18100] =	vst v63  }
0x37: {  	p0 =	sne.s32 s22, $0x9C0;
	_ =	swait.ge [sflag:s15], $0x100  }
0x38: {  	[sflag:s15] =	ssyncset.done $0x0  }
0x39: {  	[sflag:s15] =	ssyncadd.s32 $0xFFFFFF00  }
0x3a: {  	[tilespmem:s14], [sflag:$0x1] =	stream.indirect.gather [hbm4b:s0+s16], $0x80, s4, s16, $0xb8;
	[tilespmem:$0x18100] =	vst v63  }
0x3b: {  	_ =	swait.ge [sflag:s17], $0x4000  }
.Ltmp0:
0x3c: {  	[sflag:s17] =	ssyncset.done $0x0;
	(pc) =	sbr.rel @p0 .LBB2_2-.Ltmp0, $4  }
0x3d: {  	[sflag:s17] =	ssyncadd.s32 $0xFFFFC000  }
0x3e: {  	[spmem:s3] =	stream.indirect.scatter.add.f32 [tilespmem:s14], [sflag:$0x2], $0x80, s16, s16, $0xb8;
	[tilespmem:$0x18100] =	vst v63  }
0x3f: {  	_ =	swait.ge [sflag:s15], $0x4000  }
0x40: {  	s22 =	smov.u32 s24;
	[sflag:s15] =	ssyncset.done $0x0  }
0x41: {  	s21 =	sadd.s32 s21, s13;
	[sflag:s15] =	ssyncadd.s32 $0xFFFFC000  }
0x42: {  	[tilespmem:s4], [sflag:$0x2] =	stream.linear.gather [hbm4b:s21+s4], $0x100, $0x38;
	[tilespmem:$0x18100] =	vst v63  }
0x43: {  	_ =	swait.ge [sflag:s15], $0x100  }
0x44: {  	[sflag:s15] =	ssyncset.done $0x0  }
0x45: {  	[sflag:s15] =	ssyncadd.s32 $0xFFFFFF00  }
0x46: {  	[tilespmem:s14], [sflag:$0x1] =	stream.indirect.gather [hbm4b:s0+s16], $0x80, s4, s16, $0xb8;
	[tilespmem:$0x18100] =	vst v63  }
0x47: {  	_ =	swait.ge [sflag:s17], $0x4000  }
0x48: {  	[sflag:s17] =	ssyncset.done $0x0  }
0x49: {  	[sflag:s17] =	ssyncadd.s32 $0xFFFFC000  }
0x4a: {  	[spmem:s3] =	stream.indirect.scatter.add.f32 [tilespmem:s14], [sflag:$0x2], $0x80, s16, s16, $0xb8;
	[tilespmem:$0x18100] =	vst v63  }
0x4b: {  	_ =	swait.ge [sflag:s15], $0x4000  }
0x4c: {  	s20 =	sadd.s32 $0x1, s20;
	[sflag:s15] =	ssyncset.done $0x0  }
0x4d: {  	p0 =	sne.s32 s20, s12;
	[sflag:s15] =	ssyncadd.s32 $0xFFFFC000  }
.Ltmp1:
0x4e: {  	[bflag:$0x0] =	sbarrier.arrive $0xFFFF;
	(pc) =	sbr.rel @p0 .LBB2_1-.Ltmp1, $4  }
0x4f: {  	[hbm:s11], [sflag:s18] =	dma.local [spmem:s19], $0x2800  }
0x50: {  	_ =	swait.ge [sflag:s15], $0x2800  }
0x51: {  	[sflag:s15] =	ssyncset.done $0x0  }
0x52: {  	[sflag:s15] =	ssyncadd.s32 $0xFFFFD800  }
0x53: {  	_ =	sfence.sel $0x180000  }
0x54: {  	[bflag:$0x0] =	sbarrier.arrive $0xFFFF  }
0x55: {  	p0 =	sne.s32 s1, $0x0;
	_ =	strace $0x90000047  }
0x56: {  	s0 =	sadd.s32 @!p0 $0x100000, s2;
	[bflag:$0x2] =	sbarrier.arrive $0xFFFF  }
0x57: {  	[sflag:s0] =	ssyncadd.tile.s32 @!p0 $0x1;
	_ =	shalt  }
.Lfunc_end2:
_tile_overlayer_lowered:
.L_overlay_start_2:
0x58: {  	(tag) =	ssettag $0x2  }
0x59: {  	s0 =	rddreg [dreg:$0x0];
	s2 =	stileid.u32  }
0x5a: {  	s1 =	rddreg [dreg:$0x1];
	p0 =	sne.s32 s2, $0x0  }
0x5b: {  	s3 =	rddreg [dreg:$0x2];
	[bflag:$0x3] =	sbarrier.arrive $0xFFFF;
	s2 =	simm.s32 @!p0 $0x1C02  }
0x5c: {  	[timem:s3], [sflag:s2] =	dma.local @!p0 [hbm:s0], s1  }
0x5d: {  	s0 =	simm.s32 @!p0 $0x2  }
0x5e: {  	_ =	swait.ge @!p0 [sflag:s0], s1  }
0x5f: {  	s1 =	ssub.s32 @!p0 $0x0, s1;
	[sflag:s0] =	ssyncset.done @!p0 $0x0  }
0x60: {  	[sflag:s0] =	ssyncadd.s32 @!p0 s1  }
0x61: {  	[bflag:$0x3] =	sbarrier.arrive $0xFFFF  }
0x62: {  	_ =	shalt  }

// kernel: kernel.16.cloned.1.call-start
scs
__scs_entry_jumppad:
0x0: {  	(pc) =	sbr.rel $0x88, $3  }
0x1: {  	(tag) =	ssettag $0x0;
	lr =	simm.s32 $0x1  }
0x2: {  	[smem:$0x3F93] =	sst lr;
	_ =	strace $0xD0000000  }
0x3: {  	_ = 	snop  }
0x4: {  	_ = 	snop  }
0x5: {  	_ = 	snop  }
0x6: {  	_ = 	snop  }
0x7: {  	_ = 	snop  }
__scs_overlays_trampoline_lowered:
0x8: {  	[smem:$0x3FA2] =	sst s0  }
0x9: {  	[smem:$0x3FA3] =	sst s1  }
0xa: {  	[smem:$0x3FA4] =	sst s2  }
0xb: {  	[smem:$0x3FA5] =	sst s3  }
0xc: {  	[smem:$0x3FA6] =	sst s4  }
0xd: {  	[smem:$0x3FA7] =	sst s5  }
0xe: {  	[smem:$0x3FA8] =	sst s6  }
0xf: {  	[smem:$0x3FA9] =	sst s7  }
0x10: {  	[smem:$0x3FAA] =	sst s8  }
0x11: {  	[smem:$0x3FAB] =	sst s9;
	s0 =	simm.s32 @!p0 $0x0  }
0x12: {  	s1 =	sld [smem:$0x3F91];
	s0 =	simm.s32 @p0 $0x1  }
0x13: {  	[smem:$0x3FAC] =	sst s0;
	s0 =	simm.s32 @!p1 $0x0  }
0x14: {  	s2 =	sld [smem:$0x3F90];
	s0 =	simm.s32 @p1 $0x1  }
0x15: {  	[smem:$0x3FAD] =	sst s0;
	s0 =	simm.s32 @!p2 $0x0  }
0x16: {  	s3 =	sld [smem:$0x3FDB];
	s0 =	simm.s32 @p2 $0x1  }
0x17: {  	s4 =	simm.s32 $0x1BF5;
	[smem:$0x3FAF] =	sst s0  }
0x18: {  	s0 =	sld [smem:$0x3F92];
	_ =	swait.ge [sflag:s4], $0x0  }
0x19: {  	s7 =	sld [smem:$0x3F93]  }
0x1a: {  	s8 =	sadd.s32 $0xFFFFE003, lr  }
0x1b: {  	s9 =	sadd.s32 $0xFFFFFEF7, lr;
	s5 =	simm.s32 $0xFFFFFFFF;
	p2 =	slt.u32 s8, $0xFFFFF086  }
0x1c: {  	p1 =	slt.u32 s9, $0xF7A;
	s5 =	simm.s32 @!p2 $0x0  }
0x1d: {  	s5 =	simm.s32 @p1 $0x1;
	p0 =	seq.s32 s7, s2  }
0x1e: {  	s7 =	smul.u32 @!p0 $0xF7A, s2;
	p2 =	seq.s32 @!p0 s5, $0x0  }
0x1f: {  	s9 =	smul.u32 $0xF7A, s1;
	s8 =	simm.s32 @!p0 $0x1BF5;
	p2 =	por !p2, p0  }
0x20: {  	[sflag:s8] =	ssyncset.s32 @!p0 $0xFFFFF086;
	s6 =	sadd.s32 @!p0 s3, s7;
	s7 =	simm.s32 @!p0 $0x108  }
0x21: {  	s3 =	sadd.s32 s3, s9;
	s6 =	sadd.s32 @!p0 $0x88, s6;
	s7 =	simm.s32 @p2 $0x1082  }
0x22: {  	[simem:s7], [sflag:s8] =	dma.local @!p0 [hbm:s6], $0xF7A  }
0x23: {  	s9 =	sor.u32 $0xD0000000, s2;
	s6 =	simm.s32 $0x108;
	_ =	swait.ge @!p0 [sflag:s8], $0x0  }
0x24: {  	s3 =	sadd.s32 $0x88, s3;
	s6 =	simm.s32 @!p1 $0x1082;
	[sflag:s4] =	ssyncset.s32 $0xFFFFF086  }
0x25: {  	[simem:s6], [sflag:s4] =	dma.local [hbm:s3], $0xF7A  }
0x26: {  	[smem:$0x3F93] =	sst s1;
	(tag) =	ssettag s2;
	_ =	strace s9  }
0x27: {  	s1 =	sld [smem:$0x3FA3]  }
0x28: {  	s2 =	sld [smem:$0x3FA4]  }
0x29: {  	s4 =	sld [smem:$0x3FA6]  }
0x2a: {  	p0 =	seq.s32 s5, $0x0;
	s5 =	sld [smem:$0x3FA7]  }
0x2b: {  	s6 =	sld [smem:$0x3FA8]  }
0x2c: {  	s7 =	sld [smem:$0x3FA9]  }
0x2d: {  	s3 =	simm.s32 $0x108;
	s8 =	sld [smem:$0x3FAA]  }
0x2e: {  	s3 =	simm.s32 @!p0 $0x1082;
	s9 =	sld [smem:$0x3FAB]  }
0x2f: {  	lr =	sadd.s32 s0, s3;
	s0 =	sld [smem:$0x3FA2]  }
0x30: {  	s3 =	sld [smem:$0x3FA5]  }
0x31: {  	[smem:$0x3FAE] =	sst s10  }
0x32: {  	s10 =	sld [smem:$0x3FAC];
	_ =	sdelay $0x3  }
0x33: {  	p0 =	seq.s32 s10, $0x1;
	s10 =	sld [smem:$0x3FAE];
	_ =	sdelay $0x3  }
0x34: {  	[smem:$0x3FAE] =	sst s10  }
0x35: {  	s10 =	sld [smem:$0x3FAD];
	_ =	sdelay $0x3  }
0x36: {  	p1 =	seq.s32 s10, $0x1;
	s10 =	sld [smem:$0x3FAE];
	_ =	sdelay $0x3  }
0x37: {  	[smem:$0x3FAE] =	sst s10  }
0x38: {  	s10 =	sld [smem:$0x3FAF]  }
0x39: {  	_ = 	snop;
	(pc) =	sbr.ind lr, $3  }
0x3a: {  	_ = 	snop  }
0x3b: {  	_ = 	snop  }
0x3c: {  	p2 =	seq.s32 s10, $0x1;
	s10 =	sld [smem:$0x3FAE]  }
0x3d: {  	_ =	shalt  }
0x3e: {  	_ =	shalt  }
0x3f: {  	_ =	shalt  }
0x40: {  	_ =	shalt  }
0x41: {  	_ =	shalt  }
0x42: {  	_ =	shalt  }
0x43: {  	_ =	shalt  }
0x44: {  	_ =	shalt  }
0x45: {  	_ =	shalt  }
0x46: {  	_ =	shalt  }
0x47: {  	_ =	shalt  }
0x48: {  	_ =	shalt  }
0x49: {  	_ =	shalt  }
0x4a: {  	_ =	shalt  }
0x4b: {  	_ =	shalt  }
0x4c: {  	_ =	shalt  }
0x4d: {  	_ =	shalt  }
0x4e: {  	_ =	shalt  }
0x4f: {  	_ =	shalt  }
0x50: {  	_ =	shalt  }
0x51: {  	_ =	shalt  }
0x52: {  	_ =	shalt  }
0x53: {  	_ =	shalt  }
0x54: {  	_ =	shalt  }
0x55: {  	_ =	shalt  }
0x56: {  	_ =	shalt  }
0x57: {  	_ =	shalt  }
0x58: {  	_ =	shalt  }
0x59: {  	_ =	shalt  }
0x5a: {  	_ =	shalt  }
0x5b: {  	_ =	shalt  }
0x5c: {  	_ =	shalt  }
0x5d: {  	_ =	shalt  }
0x5e: {  	_ =	shalt  }
0x5f: {  	_ =	shalt  }
0x60: {  	_ =	shalt  }
0x61: {  	_ =	shalt  }
0x62: {  	_ =	shalt  }
0x63: {  	_ =	shalt  }
0x64: {  	_ =	shalt  }
0x65: {  	_ =	shalt  }
0x66: {  	_ =	shalt  }
0x67: {  	_ =	shalt  }
0x68: {  	_ =	shalt  }
0x69: {  	_ =	shalt  }
0x6a: {  	_ =	shalt  }
0x6b: {  	_ =	shalt  }
0x6c: {  	_ =	shalt  }
0x6d: {  	_ =	shalt  }
0x6e: {  	_ =	shalt  }
0x6f: {  	_ =	shalt  }
0x70: {  	_ =	shalt  }
0x71: {  	_ =	shalt  }
0x72: {  	_ =	shalt  }
0x73: {  	_ =	shalt  }
0x74: {  	_ =	shalt  }
0x75: {  	_ =	shalt  }
0x76: {  	_ =	shalt  }
0x77: {  	_ =	shalt  }
0x78: {  	_ =	shalt  }
0x79: {  	_ =	shalt  }
0x7a: {  	_ =	shalt  }
0x7b: {  	_ =	shalt  }
0x7c: {  	_ =	shalt  }
0x7d: {  	_ =	shalt  }
0x7e: {  	_ =	shalt  }
0x7f: {  	_ =	shalt  }
0x80: {  	_ =	shalt  }
0x81: {  	_ =	shalt  }
0x82: {  	_ =	shalt  }
0x83: {  	_ =	shalt  }
0x84: {  	_ =	shalt  }
0x85: {  	_ =	shalt  }
0x86: {  	_ =	shalt  }
0x87: {  	_ =	shalt  }
.Lfunc_end0:
.L_simem_size_0:
called_computation.2_lowered:
.L_overlay_start_0:
0x88: {  	s2 =	sld [smem:$0x3FD9]  }
0x89: {  	s3 =	sld [smem:$0x3FFE];
	_ =	sdelay $0x1  }
0x8a: {  	s1 =	srdreg.scid  }
0x8b: {  	s0 =	sand.u32 $0x1, s1  }
0x8c: {  	s16 =	sshll.u32 s0, $0xA;
	s2 =	sadd.s32 s3, s2  }
0x8d: {  	s2 =	sadd.s32 s2, s16  }
0x8e: {  	[smem:$0x3FBA] =	sst s2  }
0x8f: {  	_ = 	snop  }
0x90: {  	(tm) =	ssettm $0x1  }
0x91: {  	s17 =	sld [smem:$0x3FFB];
	_ =	sdelay $0x3  }
0x92: {  	_ =	strace s17  }
0x93: {  	s2 =	sld [smem:$0x3FFC];
	_ =	sdelay $0x3  }
0x94: {  	_ =	strace s2  }
0x95: {  	s2 =	sld [smem:$0x3FFD];
	_ =	sdelay $0x3  }
0x96: {  	_ =	strace s2  }
0x97: {  	_ =	strace $0x8FFFFFFF  }
0x98: {  	s18 =	sld [smem:$0x3FDB];
	_ =	sdelay $0x1  }
0x99: {  	s19 =	simm.s32 $_scs_section_size  }
0x9a: {  	s4 =	simm.s32 $_size__tile_overlayer_lowered;
	s5 =	simm.s32 $_tile_overlayer_lowered  }
0x9b: {  	s22 =	simm.s32 $0x1BFF;
	s21 =	sshll.u32 s5, $0x1;
	s2 =	sadd.s32 s19, s18  }
0x9c: {  	s6 =	simm.s32 $0x0;
	s20 =	sshll.u32 s4, $0x1;
	s4 =	sadd.s32 s21, s2  }
0x9d: {  	[timem:s6], [sflag:s22] =	dma.local [hbm:s4], s20  }
0x9e: {  	_ =	swait.ge [sflag:s22], s20  }
0x9f: {  	s3 =	ssub.s32 $0x0, s20;
	[sflag:s22] =	ssyncset.done $0x0  }
0xa0: {  	[sflag:s22] =	ssyncadd.s32 s3;
	_ =	sdelay $0x1  }
0xa1: {  	s23 =	simm.s32 $0x1B8B  }
0xa2: {  	_ =	swait.ge [sflag:s23], $0x1  }
0xa3: {  	[sflag:s23] =	ssyncset.done $0x0  }
0xa4: {  	s25 =	simm.s32 $0x1B8E;
	s24 =	sld [smem:$0x3FFE];
	[sflag:s23] =	ssyncadd.s32 $0xFFFFFFFF  }
0xa5: {  	s26 =	simm.s32 $execute0_lowered;
	[smem:$0x3FD2] =	sst s25  }
0xa6: {  	s4 =	sshll.u32 s26, $0x1;
	_ =	strace $0x8000004C;
	[dreg:$0x1] =	wrdreg $0xFFFFFFFF  }
0xa7: {  	s28 =	simm.s32 $_size_execute0_lowered;
	s2 =	sadd.s32 s2, s4;
	[dreg:$0x0] =	wrdreg $0x0  }
0xa8: {  	s4 =	sshll.u32 s28, $0x1;
	[dreg:$0x2] =	wrdreg s2  }
0xa9: {  	[dreg:$0x3] =	wrdreg s4  }
0xaa: {  	[dreg:$0x4] =	wrdreg $0xC0  }
0xab: {  	_ =	task [dreg:s6], $0x5FFFF  }
0xac: {  	[dreg:$0x1] =	wrdreg $0xFFFFFFFF  }
0xad: {  	[dreg:$0x0] =	wrdreg $0x60  }
0xae: {  	[dreg:$0x2] =	wrdreg s24  }
0xaf: {  	[dreg:$0x3] =	wrdreg $0x41000  }
0xb0: {  	[dreg:$0x4] =	wrdreg $0x9  }
0xb1: {  	_ =	task.clear_ibuf [dreg:s6], $0x5FFFF;
	_ =	strace $0x9000004C  }
0xb2: {  	s29 =	simm.s32 $0x9;
	_ =	strace $0x8000004E  }
0xb3: {  	_ =	swait.ge [sflag:s29], $0x1  }
0xb4: {  	[sflag:s29] =	ssyncadd.s32 $0xFFFFFFFF  }
0xb5: {  	_ =	strace $0x9000004E  }
0xb6: {  	_ =	sfence  }
0xb7: {  	s30 =	sld [smem:$0x0];
	_ =	sdelay $0x2  }
0xb8: {  	s31 =	sshll.u32 s1, $0xD;
	s1 =	sshrl.u32 s1, $0x2  }
0xb9: {  	s3 =	sand.u32 $0x4000, s31;
	s1 =	sadd.s32 s1, s30  }
0xba: {  	s0 =	sor.u32 s3, s0;
	s1 =	sshll.u32 s1, $0x11  }
0xbb: {  	s0 =	sor.u32 s1, s0  }
0xbc: {  	s0 =	sadd.s32 $0x8F2B, s0  }
0xbd: {  	[sflag:s0] =	ssyncadd.remote.s32 $0x1  }
0xbe: {  	_ =	sfence.sel $0xFFFF  }
0xbf: {  	[dreg:$0x0] =	wrdreg $0xFFFFFFFF;
	(pc) =	sbr.abs _section_cstart, $3  }
0xc0: {  	[dreg:$0x1] =	wrdreg $0xFFFFFFFF  }
0xc1: {  	_ =	task.clear_ibuf [dreg:s6], $0x2FFFF;
	_ =	strace $0x9FFFFFFF  }
0xc2: {  	(tm) =	ssettm $0x7FFFFFFF  }
0xc3: {  	_ =	shalt  }
tec
execute0_lowered:
.L_overlay_start_1:
0x0: {  	(tag) =	ssettag $0x1  }
0x1: {  	s6 =	rddreg [dreg:$0x0];
	s0 =	srdreg.scid  }
0x2: {  	s2 =	rddreg [dreg:$0x1];
	s1 =	stileid.u32  }
0x3: {  	s3 =	simm.s32 $0x0;
	s15 =	simm.s32 $0x2;
	s8 =	smul.u32 $0x2800, s1  }
0x4: {  	s16 =	simm.s32 $0x80;
	s17 =	simm.s32 $0x1;
	s10 =	smul.u32 $0x50000, s1  }
0x5: {  	s7 =	sand.u32 $0x1, s0;
	s0 =	rddreg [dreg:$0x2];
	s14 =	smul.u32 $0x9E0, s1  }
0x6: {  	s20 =	simm.s32 $0x0;
	[smem:$0x7FF] =	sst s3;
	s5 =	smul.u32 $0x9E00, s7  }
0x7: {  	s4 =	sadd.s32 $0x21A00, s6;
	s18 =	sshll.u32 s1, $0x6;
	s9 =	smul.u32 $0x28000, s7  }
0x8: {  	_ =	strace $0x8000004D;
	s7 =	ssub.s32 $0x2, s7;
	s18 =	sor.u32 $0x1C02, s18  }
0x9: {  	s30 =	sshrl.u32 s10, $0x2;
	s31 =	sshrl.u32 s7, $0x1;
	s13 =	sadd.s32 s5, s6  }
0xa: {  	s5 =	sadd.s32 $0x21200, s6;
	s8 =	sadd.s32 s8, s9;
	s12 =	ssub.s32 s7, s31  }
0xb: {  	s11 =	sadd.s32 s8, s6;
	s6 =	sadd.s32 s30, s2;
	s12 =	smax.u32 s12, $0x1  }
0xc: {  	s13 =	sadd.s32 s14, s13;
	s14 =	simm.s32 $0x100;
	s7 =	sadd.s32 $0x4000, s6  }
0xd: {  	s8 =	sadd.s32 $0x8000, s6;
	s9 =	sadd.s32 $0xC000, s6;
	s10 =	sadd.s32 $0x10000, s6  }
0xe: {  	s11 =	sadd.s32 $0xC2200, s11;
	s13 =	sadd.s32 $0xD600, s13;
	s19 =	sshrl.u32 s6, $0x3  }
.LBB2_1:
0xf: {  	[tilespmem:s14], [sflag:$0x2] =	stream.linear.gather [hbm4b:s5+s3], $0x4000, $0x38;
	[tilespmem:$0x18100] =	vst v63  }
0x10: {  	_ =	swait.ge [sflag:s15], $0x4000  }
0x11: {  	[sflag:s15] =	ssyncset.done $0x0  }
0x12: {  	[sflag:s15] =	ssyncadd.s32 $0xFFFFC000  }
0x13: {  	[spmem:s6] =	stream.linear.scatter [tilespmem:s14], [sflag:$0x2], $0x4000, $0x38;
	[tilespmem:$0x18100] =	vst v63  }
0x14: {  	_ =	swait.ge [sflag:s15], $0x4000  }
0x15: {  	[sflag:s15] =	ssyncset.done $0x0  }
0x16: {  	[sflag:s15] =	ssyncadd.s32 $0xFFFFC000  }
0x17: {  	[spmem:s7] =	stream.linear.scatter [tilespmem:s14], [sflag:$0x2], $0x4000, $0x38;
	[tilespmem:$0x18100] =	vst v63  }
0x18: {  	_ =	swait.ge [sflag:s15], $0x4000  }
0x19: {  	[sflag:s15] =	ssyncset.done $0x0  }
0x1a: {  	[sflag:s15] =	ssyncadd.s32 $0xFFFFC000  }
0x1b: {  	[spmem:s8] =	stream.linear.scatter [tilespmem:s14], [sflag:$0x2], $0x4000, $0x38;
	[tilespmem:$0x18100] =	vst v63  }
0x1c: {  	_ =	swait.ge [sflag:s15], $0x4000  }
0x1d: {  	[sflag:s15] =	ssyncset.done $0x0  }
0x1e: {  	[sflag:s15] =	ssyncadd.s32 $0xFFFFC000  }
0x1f: {  	[spmem:s9] =	stream.linear.scatter [tilespmem:s14], [sflag:$0x2], $0x4000, $0x38;
	[tilespmem:$0x18100] =	vst v63  }
0x20: {  	_ =	swait.ge [sflag:s15], $0x4000  }
0x21: {  	[sflag:s15] =	ssyncset.done $0x0  }
0x22: {  	[sflag:s15] =	ssyncadd.s32 $0xFFFFC000  }
0x23: {  	[spmem:s10] =	stream.linear.scatter [tilespmem:s14], [sflag:$0x2], $0x4000, $0x38;
	[tilespmem:$0x18100] =	vst v63  }
0x24: {  	_ =	swait.ge [sflag:s15], $0x4000  }
0x25: {  	[sflag:s15] =	ssyncset.done $0x0  }
0x26: {  	[sflag:s15] =	ssyncadd.s32 $0xFFFFC000  }
0x27: {  	s21 =	sadd.s32 $0x0, s13;
	[bflag:$0x0] =	sbarrier.arrive $0xFFFF  }
0x28: {  	[tilespmem:s3], [sflag:$0x2] =	stream.linear.gather [hbm4b:s21+s3], $0x100, $0x38;
	[tilespmem:$0x18100] =	vst v63  }
0x29: {  	_ =	swait.ge [sflag:s15], $0x100  }
0x2a: {  	[sflag:s15] =	ssyncset.done $0x0  }
0x2b: {  	[sflag:s15] =	ssyncadd.s32 $0xFFFFFF00  }
0x2c: {  	[tilespmem:s14], [sflag:$0x1] =	stream.indirect.gather [hbm4b:s4+s16], $0x80, s3, s16, $0xb8;
	[tilespmem:$0x18100] =	vst v63  }
0x2d: {  	_ =	swait.ge [sflag:s17], $0x4000  }
0x2e: {  	[sflag:s17] =	ssyncset.done $0x0  }
0x2f: {  	[sflag:s17] =	ssyncadd.s32 $0xFFFFC000  }
0x30: {  	[spmem:s2] =	stream.indirect.scatter.add.f32 [tilespmem:s14], [sflag:$0x2], $0x80, s16, s16, $0xb8;
	[tilespmem:$0x18100] =	vst v63  }
0x31: {  	_ =	swait.ge [sflag:s15], $0x4000  }
0x32: {  	s22 =	simm.s32 $0x40;
	s21 =	simm.s32 $0x20;
	[sflag:s15] =	ssyncset.done $0x0  }
.LBB2_2:
0x33: {  	s23 =	sadd.s32 s21, s13  }
0x34: {  	[sflag:s15] =	ssyncadd.s32 $0xFFFFC000;
	s21 =	smov.u32 s22;
	s24 =	sadd.s32 $0x20, s22  }
0x35: {  	[tilespmem:s3], [sflag:$0x2] =	stream.linear.gather [hbm4b:s23+s3], $0x100, $0x38;
	[tilespmem:$0x18100] =	vst v63  }
0x36: {  	p0 =	sne.s32 s22, $0x9C0;
	_ =	swait.ge [sflag:s15], $0x100  }
0x37: {  	[sflag:s15] =	ssyncset.done $0x0  }
0x38: {  	[sflag:s15] =	ssyncadd.s32 $0xFFFFFF00  }
0x39: {  	[tilespmem:s14], [sflag:$0x1] =	stream.indirect.gather [hbm4b:s4+s16], $0x80, s3, s16, $0xb8;
	[tilespmem:$0x18100] =	vst v63  }
0x3a: {  	_ =	swait.ge [sflag:s17], $0x4000  }
.Ltmp0:
0x3b: {  	[sflag:s17] =	ssyncset.done $0x0;
	(pc) =	sbr.rel @p0 .LBB2_2-.Ltmp0, $4  }
0x3c: {  	[sflag:s17] =	ssyncadd.s32 $0xFFFFC000  }
0x3d: {  	[spmem:s2] =	stream.indirect.scatter.add.f32 [tilespmem:s14], [sflag:$0x2], $0x80, s16, s16, $0xb8;
	[tilespmem:$0x18100] =	vst v63  }
0x3e: {  	_ =	swait.ge [sflag:s15], $0x4000  }
0x3f: {  	s22 =	smov.u32 s24;
	[sflag:s15] =	ssyncset.done $0x0  }
0x40: {  	s21 =	sadd.s32 s21, s13;
	[sflag:s15] =	ssyncadd.s32 $0xFFFFC000  }
0x41: {  	[tilespmem:s3], [sflag:$0x2] =	stream.linear.gather [hbm4b:s21+s3], $0x100, $0x38;
	[tilespmem:$0x18100] =	vst v63  }
0x42: {  	_ =	swait.ge [sflag:s15], $0x100  }
0x43: {  	[sflag:s15] =	ssyncset.done $0x0  }
0x44: {  	[sflag:s15] =	ssyncadd.s32 $0xFFFFFF00  }
0x45: {  	[tilespmem:s14], [sflag:$0x1] =	stream.indirect.gather [hbm4b:s4+s16], $0x80, s3, s16, $0xb8;
	[tilespmem:$0x18100] =	vst v63  }
0x46: {  	_ =	swait.ge [sflag:s17], $0x4000  }
0x47: {  	[sflag:s17] =	ssyncset.done $0x0  }
0x48: {  	[sflag:s17] =	ssyncadd.s32 $0xFFFFC000  }
0x49: {  	[spmem:s2] =	stream.indirect.scatter.add.f32 [tilespmem:s14], [sflag:$0x2], $0x80, s16, s16, $0xb8;
	[tilespmem:$0x18100] =	vst v63  }
0x4a: {  	_ =	swait.ge [sflag:s15], $0x4000  }
0x4b: {  	s20 =	sadd.s32 $0x1, s20;
	[sflag:s15] =	ssyncset.done $0x0  }
0x4c: {  	p0 =	sne.s32 s20, s12;
	[sflag:s15] =	ssyncadd.s32 $0xFFFFC000  }
.Ltmp1:
0x4d: {  	[bflag:$0x0] =	sbarrier.arrive $0xFFFF;
	(pc) =	sbr.rel @p0 .LBB2_1-.Ltmp1, $4  }
0x4e: {  	[hbm:s11], [sflag:s18] =	dma.local [spmem:s19], $0x2800  }
0x4f: {  	_ =	swait.ge [sflag:s15], $0x2800  }
0x50: {  	[sflag:s15] =	ssyncset.done $0x0  }
0x51: {  	[sflag:s15] =	ssyncadd.s32 $0xFFFFD800  }
0x52: {  	_ =	sfence.sel $0x180000  }
0x53: {  	[bflag:$0x0] =	sbarrier.arrive $0xFFFF  }
0x54: {  	p0 =	sne.s32 s1, $0x0;
	_ =	strace $0x9000004D  }
0x55: {  	s0 =	sadd.s32 @!p0 $0x100000, s0;
	[bflag:$0x2] =	sbarrier.arrive $0xFFFF  }
0x56: {  	[sflag:s0] =	ssyncadd.tile.s32 @!p0 $0x1;
	_ =	shalt  }
.Lfunc_end2:
_tile_overlayer_lowered:
.L_overlay_start_2:
0x57: {  	(tag) =	ssettag $0x2  }
0x58: {  	s0 =	rddreg [dreg:$0x0];
	s2 =	stileid.u32  }
0x59: {  	s1 =	rddreg [dreg:$0x1];
	p0 =	sne.s32 s2, $0x0  }
0x5a: {  	s3 =	rddreg [dreg:$0x2];
	[bflag:$0x3] =	sbarrier.arrive $0xFFFF;
	s2 =	simm.s32 @!p0 $0x1C02  }
0x5b: {  	[timem:s3], [sflag:s2] =	dma.local @!p0 [hbm:s0], s1  }
0x5c: {  	s0 =	simm.s32 @!p0 $0x2  }
0x5d: {  	_ =	swait.ge @!p0 [sflag:s0], s1  }
0x5e: {  	s1 =	ssub.s32 @!p0 $0x0, s1;
	[sflag:s0] =	ssyncset.done @!p0 $0x0  }
0x5f: {  	[sflag:s0] =	ssyncadd.s32 @!p0 s1  }
0x60: {  	[bflag:$0x3] =	sbarrier.arrive $0xFFFF  }
0x61: {  	_ =	shalt  }

// kernel: kernel.19.cloned.1.call-start
scs
__scs_entry_jumppad:
0x0: {  	(pc) =	sbr.rel $0x88, $3  }
0x1: {  	(tag) =	ssettag $0x0;
	lr =	simm.s32 $0x1  }
0x2: {  	[smem:$0x3F93] =	sst lr;
	_ =	strace $0xD0000000  }
0x3: {  	_ = 	snop  }
0x4: {  	_ = 	snop  }
0x5: {  	_ = 	snop  }
0x6: {  	_ = 	snop  }
0x7: {  	_ = 	snop  }
__scs_overlays_trampoline_lowered:
0x8: {  	[smem:$0x3FA2] =	sst s0  }
0x9: {  	[smem:$0x3FA3] =	sst s1  }
0xa: {  	[smem:$0x3FA4] =	sst s2  }
0xb: {  	[smem:$0x3FA5] =	sst s3  }
0xc: {  	[smem:$0x3FA6] =	sst s4  }
0xd: {  	[smem:$0x3FA7] =	sst s5  }
0xe: {  	[smem:$0x3FA8] =	sst s6  }
0xf: {  	[smem:$0x3FA9] =	sst s7  }
0x10: {  	[smem:$0x3FAA] =	sst s8  }
0x11: {  	[smem:$0x3FAB] =	sst s9;
	s0 =	simm.s32 @!p0 $0x0  }
0x12: {  	s1 =	sld [smem:$0x3F91];
	s0 =	simm.s32 @p0 $0x1  }
0x13: {  	[smem:$0x3FAC] =	sst s0;
	s0 =	simm.s32 @!p1 $0x0  }
0x14: {  	s2 =	sld [smem:$0x3F90];
	s0 =	simm.s32 @p1 $0x1  }
0x15: {  	[smem:$0x3FAD] =	sst s0;
	s0 =	simm.s32 @!p2 $0x0  }
0x16: {  	s3 =	sld [smem:$0x3FDB];
	s0 =	simm.s32 @p2 $0x1  }
0x17: {  	s4 =	simm.s32 $0x1BF5;
	[smem:$0x3FAF] =	sst s0  }
0x18: {  	s0 =	sld [smem:$0x3F92];
	_ =	swait.ge [sflag:s4], $0x0  }
0x19: {  	s7 =	sld [smem:$0x3F93]  }
0x1a: {  	s8 =	sadd.s32 $0xFFFFE003, lr  }
0x1b: {  	s9 =	sadd.s32 $0xFFFFFEF7, lr;
	s5 =	simm.s32 $0xFFFFFFFF;
	p2 =	slt.u32 s8, $0xFFFFF086  }
0x1c: {  	p1 =	slt.u32 s9, $0xF7A;
	s5 =	simm.s32 @!p2 $0x0  }
0x1d: {  	s5 =	simm.s32 @p1 $0x1;
	p0 =	seq.s32 s7, s2  }
0x1e: {  	s7 =	smul.u32 @!p0 $0xF7A, s2;
	p2 =	seq.s32 @!p0 s5, $0x0  }
0x1f: {  	s9 =	smul.u32 $0xF7A, s1;
	s8 =	simm.s32 @!p0 $0x1BF5;
	p2 =	por !p2, p0  }
0x20: {  	[sflag:s8] =	ssyncset.s32 @!p0 $0xFFFFF086;
	s6 =	sadd.s32 @!p0 s3, s7;
	s7 =	simm.s32 @!p0 $0x108  }
0x21: {  	s3 =	sadd.s32 s3, s9;
	s6 =	sadd.s32 @!p0 $0x88, s6;
	s7 =	simm.s32 @p2 $0x1082  }
0x22: {  	[simem:s7], [sflag:s8] =	dma.local @!p0 [hbm:s6], $0xF7A  }
0x23: {  	s9 =	sor.u32 $0xD0000000, s2;
	s6 =	simm.s32 $0x108;
	_ =	swait.ge @!p0 [sflag:s8], $0x0  }
0x24: {  	s3 =	sadd.s32 $0x88, s3;
	s6 =	simm.s32 @!p1 $0x1082;
	[sflag:s4] =	ssyncset.s32 $0xFFFFF086  }
0x25: {  	[simem:s6], [sflag:s4] =	dma.local [hbm:s3], $0xF7A  }
0x26: {  	[smem:$0x3F93] =	sst s1;
	(tag) =	ssettag s2;
	_ =	strace s9  }
0x27: {  	s1 =	sld [smem:$0x3FA3]  }
0x28: {  	s2 =	sld [smem:$0x3FA4]  }
0x29: {  	s4 =	sld [smem:$0x3FA6]  }
0x2a: {  	p0 =	seq.s32 s5, $0x0;
	s5 =	sld [smem:$0x3FA7]  }
0x2b: {  	s6 =	sld [smem:$0x3FA8]  }
0x2c: {  	s7 =	sld [smem:$0x3FA9]  }
0x2d: {  	s3 =	simm.s32 $0x108;
	s8 =	sld [smem:$0x3FAA]  }
0x2e: {  	s3 =	simm.s32 @!p0 $0x1082;
	s9 =	sld [smem:$0x3FAB]  }
0x2f: {  	lr =	sadd.s32 s0, s3;
	s0 =	sld [smem:$0x3FA2]  }
0x30: {  	s3 =	sld [smem:$0x3FA5]  }
0x31: {  	[smem:$0x3FAE] =	sst s10  }
0x32: {  	s10 =	sld [smem:$0x3FAC];
	_ =	sdelay $0x3  }
0x33: {  	p0 =	seq.s32 s10, $0x1;
	s10 =	sld [smem:$0x3FAE];
	_ =	sdelay $0x3  }
0x34: {  	[smem:$0x3FAE] =	sst s10  }
0x35: {  	s10 =	sld [smem:$0x3FAD];
	_ =	sdelay $0x3  }
0x36: {  	p1 =	seq.s32 s10, $0x1;
	s10 =	sld [smem:$0x3FAE];
	_ =	sdelay $0x3  }
0x37: {  	[smem:$0x3FAE] =	sst s10  }
0x38: {  	s10 =	sld [smem:$0x3FAF]  }
0x39: {  	_ = 	snop;
	(pc) =	sbr.ind lr, $3  }
0x3a: {  	_ = 	snop  }
0x3b: {  	_ = 	snop  }
0x3c: {  	p2 =	seq.s32 s10, $0x1;
	s10 =	sld [smem:$0x3FAE]  }
0x3d: {  	_ =	shalt  }
0x3e: {  	_ =	shalt  }
0x3f: {  	_ =	shalt  }
0x40: {  	_ =	shalt  }
0x41: {  	_ =	shalt  }
0x42: {  	_ =	shalt  }
0x43: {  	_ =	shalt  }
0x44: {  	_ =	shalt  }
0x45: {  	_ =	shalt  }
0x46: {  	_ =	shalt  }
0x47: {  	_ =	shalt  }
0x48: {  	_ =	shalt  }
0x49: {  	_ =	shalt  }
0x4a: {  	_ =	shalt  }
0x4b: {  	_ =	shalt  }
0x4c: {  	_ =	shalt  }
0x4d: {  	_ =	shalt  }
0x4e: {  	_ =	shalt  }
0x4f: {  	_ =	shalt  }
0x50: {  	_ =	shalt  }
0x51: {  	_ =	shalt  }
0x52: {  	_ =	shalt  }
0x53: {  	_ =	shalt  }
0x54: {  	_ =	shalt  }
0x55: {  	_ =	shalt  }
0x56: {  	_ =	shalt  }
0x57: {  	_ =	shalt  }
0x58: {  	_ =	shalt  }
0x59: {  	_ =	shalt  }
0x5a: {  	_ =	shalt  }
0x5b: {  	_ =	shalt  }
0x5c: {  	_ =	shalt  }
0x5d: {  	_ =	shalt  }
0x5e: {  	_ =	shalt  }
0x5f: {  	_ =	shalt  }
0x60: {  	_ =	shalt  }
0x61: {  	_ =	shalt  }
0x62: {  	_ =	shalt  }
0x63: {  	_ =	shalt  }
0x64: {  	_ =	shalt  }
0x65: {  	_ =	shalt  }
0x66: {  	_ =	shalt  }
0x67: {  	_ =	shalt  }
0x68: {  	_ =	shalt  }
0x69: {  	_ =	shalt  }
0x6a: {  	_ =	shalt  }
0x6b: {  	_ =	shalt  }
0x6c: {  	_ =	shalt  }
0x6d: {  	_ =	shalt  }
0x6e: {  	_ =	shalt  }
0x6f: {  	_ =	shalt  }
0x70: {  	_ =	shalt  }
0x71: {  	_ =	shalt  }
0x72: {  	_ =	shalt  }
0x73: {  	_ =	shalt  }
0x74: {  	_ =	shalt  }
0x75: {  	_ =	shalt  }
0x76: {  	_ =	shalt  }
0x77: {  	_ =	shalt  }
0x78: {  	_ =	shalt  }
0x79: {  	_ =	shalt  }
0x7a: {  	_ =	shalt  }
0x7b: {  	_ =	shalt  }
0x7c: {  	_ =	shalt  }
0x7d: {  	_ =	shalt  }
0x7e: {  	_ =	shalt  }
0x7f: {  	_ =	shalt  }
0x80: {  	_ =	shalt  }
0x81: {  	_ =	shalt  }
0x82: {  	_ =	shalt  }
0x83: {  	_ =	shalt  }
0x84: {  	_ =	shalt  }
0x85: {  	_ =	shalt  }
0x86: {  	_ =	shalt  }
0x87: {  	_ =	shalt  }
.Lfunc_end0:
.L_simem_size_0:
called_computation.3_lowered:
.L_overlay_start_0:
0x88: {  	s2 =	sld [smem:$0x3FD9]  }
0x89: {  	s3 =	sld [smem:$0x3FFE];
	_ =	sdelay $0x1  }
0x8a: {  	s1 =	srdreg.scid  }
0x8b: {  	s0 =	sand.u32 $0x1, s1  }
0x8c: {  	s16 =	sshll.u32 s0, $0xA;
	s2 =	sadd.s32 s3, s2  }
0x8d: {  	s2 =	sadd.s32 s2, s16  }
0x8e: {  	[smem:$0x3FBA] =	sst s2  }
0x8f: {  	_ = 	snop  }
0x90: {  	(tm) =	ssettm $0x1  }
0x91: {  	s17 =	sld [smem:$0x3FFB];
	_ =	sdelay $0x3  }
0x92: {  	_ =	strace s17  }
0x93: {  	s2 =	sld [smem:$0x3FFC];
	_ =	sdelay $0x3  }
0x94: {  	_ =	strace s2  }
0x95: {  	s2 =	sld [smem:$0x3FFD];
	_ =	sdelay $0x3  }
0x96: {  	_ =	strace s2  }
0x97: {  	_ =	strace $0x8FFFFFFF  }
0x98: {  	s18 =	sld [smem:$0x3FDB];
	_ =	sdelay $0x1  }
0x99: {  	s19 =	simm.s32 $_scs_section_size  }
0x9a: {  	s4 =	simm.s32 $_size__tile_overlayer_lowered;
	s5 =	simm.s32 $_tile_overlayer_lowered  }
0x9b: {  	s22 =	simm.s32 $0x1BFF;
	s21 =	sshll.u32 s5, $0x1;
	s2 =	sadd.s32 s19, s18  }
0x9c: {  	s6 =	simm.s32 $0x0;
	s20 =	sshll.u32 s4, $0x1;
	s4 =	sadd.s32 s21, s2  }
0x9d: {  	[timem:s6], [sflag:s22] =	dma.local [hbm:s4], s20  }
0x9e: {  	_ =	swait.ge [sflag:s22], s20  }
0x9f: {  	s3 =	ssub.s32 $0x0, s20;
	[sflag:s22] =	ssyncset.done $0x0  }
0xa0: {  	[sflag:s22] =	ssyncadd.s32 s3;
	_ =	sdelay $0x1  }
0xa1: {  	s23 =	simm.s32 $0x1B8B  }
0xa2: {  	_ =	swait.ge [sflag:s23], $0x1  }
0xa3: {  	[sflag:s23] =	ssyncset.done $0x0  }
0xa4: {  	s25 =	simm.s32 $0x1B8E;
	s24 =	sld [smem:$0x3FFE];
	[sflag:s23] =	ssyncadd.s32 $0xFFFFFFFF  }
0xa5: {  	s26 =	simm.s32 $execute0_lowered;
	[smem:$0x3FD2] =	sst s25  }
0xa6: {  	s4 =	sshll.u32 s26, $0x1;
	_ =	strace $0x8000004F;
	[dreg:$0x1] =	wrdreg $0xFFFFFFFF  }
0xa7: {  	s28 =	simm.s32 $_size_execute0_lowered;
	s2 =	sadd.s32 s2, s4;
	[dreg:$0x0] =	wrdreg $0x0  }
0xa8: {  	s4 =	sshll.u32 s28, $0x1;
	[dreg:$0x2] =	wrdreg s2  }
0xa9: {  	[dreg:$0x3] =	wrdreg s4  }
0xaa: {  	[dreg:$0x4] =	wrdreg $0xC0  }
0xab: {  	_ =	task [dreg:s6], $0x5FFFF  }
0xac: {  	[dreg:$0x1] =	wrdreg $0xFFFFFFFF  }
0xad: {  	[dreg:$0x0] =	wrdreg $0x60  }
0xae: {  	[dreg:$0x2] =	wrdreg s24  }
0xaf: {  	[dreg:$0x3] =	wrdreg $0x41000  }
0xb0: {  	[dreg:$0x4] =	wrdreg $0x9  }
0xb1: {  	_ =	task.clear_ibuf [dreg:s6], $0x5FFFF;
	_ =	strace $0x9000004F  }
0xb2: {  	s29 =	simm.s32 $0x9;
	_ =	strace $0x80000051  }
0xb3: {  	_ =	swait.ge [sflag:s29], $0x1  }
0xb4: {  	[sflag:s29] =	ssyncadd.s32 $0xFFFFFFFF  }
0xb5: {  	_ =	strace $0x90000051  }
0xb6: {  	_ =	sfence  }
0xb7: {  	s30 =	sld [smem:$0x0];
	_ =	sdelay $0x2  }
0xb8: {  	s31 =	sshll.u32 s1, $0xD;
	s1 =	sshrl.u32 s1, $0x2  }
0xb9: {  	s3 =	sand.u32 $0x4000, s31;
	s1 =	sadd.s32 s1, s30  }
0xba: {  	s0 =	sor.u32 s3, s0;
	s1 =	sshll.u32 s1, $0x11  }
0xbb: {  	s0 =	sor.u32 s1, s0  }
0xbc: {  	s0 =	sadd.s32 $0x8F2B, s0  }
0xbd: {  	[sflag:s0] =	ssyncadd.remote.s32 $0x1  }
0xbe: {  	_ =	sfence.sel $0xFFFF  }
0xbf: {  	[dreg:$0x0] =	wrdreg $0xFFFFFFFF;
	(pc) =	sbr.abs _section_cstart, $3  }
0xc0: {  	[dreg:$0x1] =	wrdreg $0xFFFFFFFF  }
0xc1: {  	_ =	task.clear_ibuf [dreg:s6], $0x2FFFF;
	_ =	strace $0x9FFFFFFF  }
0xc2: {  	(tm) =	ssettm $0x7FFFFFFF  }
0xc3: {  	_ =	shalt  }
tec
execute0_lowered:
.L_overlay_start_1:
0x0: {  	(tag) =	ssettag $0x1  }
0x1: {  	s6 =	rddreg [dreg:$0x0];
	s0 =	srdreg.scid  }
0x2: {  	s2 =	rddreg [dreg:$0x1];
	s1 =	stileid.u32  }
0x3: {  	s3 =	simm.s32 $0x0;
	s15 =	simm.s32 $0x2;
	s8 =	smul.u32 $0x2800, s1  }
0x4: {  	s16 =	simm.s32 $0x80;
	s17 =	simm.s32 $0x1;
	s10 =	smul.u32 $0x50000, s1  }
0x5: {  	s7 =	sand.u32 $0x1, s0;
	s0 =	rddreg [dreg:$0x2];
	s14 =	smul.u32 $0x9E0, s1  }
0x6: {  	s20 =	simm.s32 $0x0;
	[smem:$0x7FF] =	sst s3;
	s5 =	smul.u32 $0x9E00, s7  }
0x7: {  	s4 =	sadd.s32 $0x21A00, s6;
	s18 =	sshll.u32 s1, $0x6;
	s9 =	smul.u32 $0x28000, s7  }
0x8: {  	_ =	strace $0x80000050;
	s7 =	ssub.s32 $0x2, s7;
	s18 =	sor.u32 $0x1C02, s18  }
0x9: {  	s30 =	sshrl.u32 s10, $0x2;
	s31 =	sshrl.u32 s7, $0x1;
	s13 =	sadd.s32 s5, s6  }
0xa: {  	s5 =	sadd.s32 $0x21200, s6;
	s8 =	sadd.s32 s8, s9;
	s12 =	ssub.s32 s7, s31  }
0xb: {  	s11 =	sadd.s32 s8, s6;
	s6 =	sadd.s32 s30, s2;
	s12 =	smax.u32 s12, $0x1  }
0xc: {  	s13 =	sadd.s32 s14, s13;
	s14 =	simm.s32 $0x100;
	s7 =	sadd.s32 $0x4000, s6  }
0xd: {  	s8 =	sadd.s32 $0x8000, s6;
	s9 =	sadd.s32 $0xC000, s6;
	s10 =	sadd.s32 $0x10000, s6  }
0xe: {  	s11 =	sadd.s32 $0xC2200, s11;
	s13 =	sadd.s32 $0xD600, s13;
	s19 =	sshrl.u32 s6, $0x3  }
.LBB2_1:
0xf: {  	[tilespmem:s14], [sflag:$0x2] =	stream.linear.gather [hbm4b:s5+s3], $0x4000, $0x38;
	[tilespmem:$0x18100] =	vst v63  }
0x10: {  	_ =	swait.ge [sflag:s15], $0x4000  }
0x11: {  	[sflag:s15] =	ssyncset.done $0x0  }
0x12: {  	[sflag:s15] =	ssyncadd.s32 $0xFFFFC000  }
0x13: {  	[spmem:s6] =	stream.linear.scatter [tilespmem:s14], [sflag:$0x2], $0x4000, $0x38;
	[tilespmem:$0x18100] =	vst v63  }
0x14: {  	_ =	swait.ge [sflag:s15], $0x4000  }
0x15: {  	[sflag:s15] =	ssyncset.done $0x0  }
0x16: {  	[sflag:s15] =	ssyncadd.s32 $0xFFFFC000  }
0x17: {  	[spmem:s7] =	stream.linear.scatter [tilespmem:s14], [sflag:$0x2], $0x4000, $0x38;
	[tilespmem:$0x18100] =	vst v63  }
0x18: {  	_ =	swait.ge [sflag:s15], $0x4000  }
0x19: {  	[sflag:s15] =	ssyncset.done $0x0  }
0x1a: {  	[sflag:s15] =	ssyncadd.s32 $0xFFFFC000  }
0x1b: {  	[spmem:s8] =	stream.linear.scatter [tilespmem:s14], [sflag:$0x2], $0x4000, $0x38;
	[tilespmem:$0x18100] =	vst v63  }
0x1c: {  	_ =	swait.ge [sflag:s15], $0x4000  }
0x1d: {  	[sflag:s15] =	ssyncset.done $0x0  }
0x1e: {  	[sflag:s15] =	ssyncadd.s32 $0xFFFFC000  }
0x1f: {  	[spmem:s9] =	stream.linear.scatter [tilespmem:s14], [sflag:$0x2], $0x4000, $0x38;
	[tilespmem:$0x18100] =	vst v63  }
0x20: {  	_ =	swait.ge [sflag:s15], $0x4000  }
0x21: {  	[sflag:s15] =	ssyncset.done $0x0  }
0x22: {  	[sflag:s15] =	ssyncadd.s32 $0xFFFFC000  }
0x23: {  	[spmem:s10] =	stream.linear.scatter [tilespmem:s14], [sflag:$0x2], $0x4000, $0x38;
	[tilespmem:$0x18100] =	vst v63  }
0x24: {  	_ =	swait.ge [sflag:s15], $0x4000  }
0x25: {  	[sflag:s15] =	ssyncset.done $0x0  }
0x26: {  	[sflag:s15] =	ssyncadd.s32 $0xFFFFC000  }
0x27: {  	s21 =	sadd.s32 $0x0, s13;
	[bflag:$0x0] =	sbarrier.arrive $0xFFFF  }
0x28: {  	[tilespmem:s3], [sflag:$0x2] =	stream.linear.gather [hbm4b:s21+s3], $0x100, $0x38;
	[tilespmem:$0x18100] =	vst v63  }
0x29: {  	_ =	swait.ge [sflag:s15], $0x100  }
0x2a: {  	[sflag:s15] =	ssyncset.done $0x0  }
0x2b: {  	[sflag:s15] =	ssyncadd.s32 $0xFFFFFF00  }
0x2c: {  	[tilespmem:s14], [sflag:$0x1] =	stream.indirect.gather [hbm4b:s4+s16], $0x80, s3, s16, $0xb8;
	[tilespmem:$0x18100] =	vst v63  }
0x2d: {  	_ =	swait.ge [sflag:s17], $0x4000  }
0x2e: {  	[sflag:s17] =	ssyncset.done $0x0  }
0x2f: {  	[sflag:s17] =	ssyncadd.s32 $0xFFFFC000  }
0x30: {  	[spmem:s2] =	stream.indirect.scatter.add.f32 [tilespmem:s14], [sflag:$0x2], $0x80, s16, s16, $0xb8;
	[tilespmem:$0x18100] =	vst v63  }
0x31: {  	_ =	swait.ge [sflag:s15], $0x4000  }
0x32: {  	s22 =	simm.s32 $0x40;
	s21 =	simm.s32 $0x20;
	[sflag:s15] =	ssyncset.done $0x0  }
.LBB2_2:
0x33: {  	s23 =	sadd.s32 s21, s13  }
0x34: {  	[sflag:s15] =	ssyncadd.s32 $0xFFFFC000;
	s21 =	smov.u32 s22;
	s24 =	sadd.s32 $0x20, s22  }
0x35: {  	[tilespmem:s3], [sflag:$0x2] =	stream.linear.gather [hbm4b:s23+s3], $0x100, $0x38;
	[tilespmem:$0x18100] =	vst v63  }
0x36: {  	p0 =	sne.s32 s22, $0x9C0;
	_ =	swait.ge [sflag:s15], $0x100  }
0x37: {  	[sflag:s15] =	ssyncset.done $0x0  }
0x38: {  	[sflag:s15] =	ssyncadd.s32 $0xFFFFFF00  }
0x39: {  	[tilespmem:s14], [sflag:$0x1] =	stream.indirect.gather [hbm4b:s4+s16], $0x80, s3, s16, $0xb8;
	[tilespmem:$0x18100] =	vst v63  }
0x3a: {  	_ =	swait.ge [sflag:s17], $0x4000  }
.Ltmp0:
0x3b: {  	[sflag:s17] =	ssyncset.done $0x0;
	(pc) =	sbr.rel @p0 .LBB2_2-.Ltmp0, $4  }
0x3c: {  	[sflag:s17] =	ssyncadd.s32 $0xFFFFC000  }
0x3d: {  	[spmem:s2] =	stream.indirect.scatter.add.f32 [tilespmem:s14], [sflag:$0x2], $0x80, s16, s16, $0xb8;
	[tilespmem:$0x18100] =	vst v63  }
0x3e: {  	_ =	swait.ge [sflag:s15], $0x4000  }
0x3f: {  	s22 =	smov.u32 s24;
	[sflag:s15] =	ssyncset.done $0x0  }
0x40: {  	s21 =	sadd.s32 s21, s13;
	[sflag:s15] =	ssyncadd.s32 $0xFFFFC000  }
0x41: {  	[tilespmem:s3], [sflag:$0x2] =	stream.linear.gather [hbm4b:s21+s3], $0x100, $0x38;
	[tilespmem:$0x18100] =	vst v63  }
0x42: {  	_ =	swait.ge [sflag:s15], $0x100  }
0x43: {  	[sflag:s15] =	ssyncset.done $0x0  }
0x44: {  	[sflag:s15] =	ssyncadd.s32 $0xFFFFFF00  }
0x45: {  	[tilespmem:s14], [sflag:$0x1] =	stream.indirect.gather [hbm4b:s4+s16], $0x80, s3, s16, $0xb8;
	[tilespmem:$0x18100] =	vst v63  }
0x46: {  	_ =	swait.ge [sflag:s17], $0x4000  }
0x47: {  	[sflag:s17] =	ssyncset.done $0x0  }
0x48: {  	[sflag:s17] =	ssyncadd.s32 $0xFFFFC000  }
0x49: {  	[spmem:s2] =	stream.indirect.scatter.add.f32 [tilespmem:s14], [sflag:$0x2], $0x80, s16, s16, $0xb8;
	[tilespmem:$0x18100] =	vst v63  }
0x4a: {  	_ =	swait.ge [sflag:s15], $0x4000  }
0x4b: {  	s20 =	sadd.s32 $0x1, s20;
	[sflag:s15] =	ssyncset.done $0x0  }
0x4c: {  	p0 =	sne.s32 s20, s12;
	[sflag:s15] =	ssyncadd.s32 $0xFFFFC000  }
.Ltmp1:
0x4d: {  	[bflag:$0x0] =	sbarrier.arrive $0xFFFF;
	(pc) =	sbr.rel @p0 .LBB2_1-.Ltmp1, $4  }
0x4e: {  	[hbm:s11], [sflag:s18] =	dma.local [spmem:s19], $0x2800  }
0x4f: {  	_ =	swait.ge [sflag:s15], $0x2800  }
0x50: {  	[sflag:s15] =	ssyncset.done $0x0  }
0x51: {  	[sflag:s15] =	ssyncadd.s32 $0xFFFFD800  }
0x52: {  	_ =	sfence.sel $0x180000  }
0x53: {  	[bflag:$0x0] =	sbarrier.arrive $0xFFFF  }
0x54: {  	p0 =	sne.s32 s1, $0x0;
	_ =	strace $0x90000050  }
0x55: {  	s0 =	sadd.s32 @!p0 $0x100000, s0;
	[bflag:$0x2] =	sbarrier.arrive $0xFFFF  }
0x56: {  	[sflag:s0] =	ssyncadd.tile.s32 @!p0 $0x1;
	_ =	shalt  }
.Lfunc_end2:
_tile_overlayer_lowered:
.L_overlay_start_2:
0x57: {  	(tag) =	ssettag $0x2  }
0x58: {  	s0 =	rddreg [dreg:$0x0];
	s2 =	stileid.u32  }
0x59: {  	s1 =	rddreg [dreg:$0x1];
	p0 =	sne.s32 s2, $0x0  }
0x5a: {  	s3 =	rddreg [dreg:$0x2];
	[bflag:$0x3] =	sbarrier.arrive $0xFFFF;
	s2 =	simm.s32 @!p0 $0x1C02  }
0x5b: {  	[timem:s3], [sflag:s2] =	dma.local @!p0 [hbm:s0], s1  }
0x5c: {  	s0 =	simm.s32 @!p0 $0x2  }
0x5d: {  	_ =	swait.ge @!p0 [sflag:s0], s1  }
0x5e: {  	s1 =	ssub.s32 @!p0 $0x0, s1;
	[sflag:s0] =	ssyncset.done @!p0 $0x0  }
0x5f: {  	[sflag:s0] =	ssyncadd.s32 @!p0 s1  }
0x60: {  	[bflag:$0x3] =	sbarrier.arrive $0xFFFF  }
0x61: {  	_ =	shalt  }

</sc_bundles>
